<compile_context>
chip_gen: v7x
topology: tpu7x:2x2x1
jax: 0.10.2.dev20260603
libtpu: 0.0.44.dev20260713+nightly
codegen_flags: <defaults>
</compile_context>

<pallas_src>
import functools

import jax
import jax.numpy as jnp
from jax import lax
from jax.experimental import pallas as pl
from jax.experimental.pallas import tpu as pltpu
from jax.experimental.pallas import tpu_sc as plsc

_NW = 32
_NC = 2
_NS = 16
_C = 128
_NBUF = 8


def _deg_kernel(n_s, k_blk, c_blk):
    mesh = plsc.VectorSubcoreMesh(core_axis_name="c", subcore_axis_name="s")
    rows_per_tile = n_s // _NS

    @functools.partial(
        pl.kernel,
        mesh=mesh,
        compiler_params=pltpu.CompilerParams(use_tc_tiling_on_sc=False),
        out_type=jax.ShapeDtypeStruct((_NC, n_s, 16), jnp.float32),
        scratch_types=[
            pltpu.VMEM((k_blk, c_blk), jnp.int32),
            pltpu.VMEM((c_blk, 16), jnp.float32),
            pltpu.VMEM((rows_per_tile, 16), jnp.float32),
            pltpu.VMEM_SHARED((n_s, 16), jnp.float32),
            pltpu.SemaphoreType.DMA,
        ],
    )
    def k(ei_hbm, out_hbm, idx_v, ones_v, zbuf, deg_sh, sem):
        c = lax.axis_index("c")
        s = lax.axis_index("s")
        wid = s * _NC + c
        pltpu.sync_copy(ei_hbm.at[1, wid], idx_v)
        z16 = jnp.zeros((16,), jnp.float32)
        o16 = jnp.ones((16,), jnp.float32)

        def fill_body(i, carry):
            ones_v[i, :] = o16
            return carry

        lax.fori_loop(0, c_blk, fill_body, 0)

        def zero_body(i, carry):
            zbuf[i, :] = z16
            return carry

        lax.fori_loop(0, rows_per_tile, zero_body, 0)
        pltpu.sync_copy(zbuf, deg_sh.at[pl.ds(s * rows_per_tile, rows_per_tile)])
        plsc.subcore_barrier()

        def body(j, carry):
            pltpu.async_copy(ones_v, deg_sh.at[idx_v.at[j]], sem, add=True)
            return carry

        lax.fori_loop(0, k_blk, body, 0)

        def drain_body(j, carry):
            pltpu.make_async_copy(ones_v, deg_sh.at[idx_v.at[j]], sem).wait()
            return carry

        lax.fori_loop(0, k_blk, drain_body, 0)
        plsc.subcore_barrier()
        pltpu.sync_copy(
            deg_sh.at[pl.ds(s * rows_per_tile, rows_per_tile)],
            out_hbm.at[c, pl.ds(s * rows_per_tile, rows_per_tile), :],
        )

    return k


def _scatter_kernel(n, n_s, h, k_blk, c_blk):
    mesh = plsc.VectorSubcoreMesh(core_axis_name="c", subcore_axis_name="s")
    rows_per_tile = n_s // _NS

    @functools.partial(
        pl.kernel,
        mesh=mesh,
        compiler_params=pltpu.CompilerParams(use_tc_tiling_on_sc=False),
        out_type=jax.ShapeDtypeStruct((_NC, n_s, h), jnp.float32),
        scratch_types=[
            pltpu.VMEM((k_blk, c_blk), jnp.int32),
            pltpu.VMEM((k_blk, c_blk), jnp.int32),
            [pltpu.VMEM((c_blk, h), jnp.float32) for _ in range(_NBUF)],
            pltpu.VMEM((rows_per_tile, h), jnp.float32),
            pltpu.VMEM_SHARED((n_s, h), jnp.float32),
            pltpu.VMEM_SHARED((n_s, h), jnp.float32),
            [pltpu.SemaphoreType.DMA for _ in range(_NBUF)],
            [pltpu.SemaphoreType.DMA for _ in range(_NBUF)],
        ],
    )
    def k(m_hbm, ei_hbm, out_hbm,
          src_v, dst_v, bufs, zbuf, s_sh, m_sh, gsems, ssems):
        c = lax.axis_index("c")
        s = lax.axis_index("s")
        wid = s * _NC + c
        pltpu.sync_copy(ei_hbm.at[0, wid], src_v)
        pltpu.sync_copy(ei_hbm.at[1, wid], dst_v)
        pltpu.sync_copy(
            m_hbm.at[pl.ds(s * rows_per_tile, rows_per_tile)],
            m_sh.at[pl.ds(s * rows_per_tile, rows_per_tile)],
        )

        z16 = jnp.zeros((16,), jnp.float32)

        def zero_body(i, carry):
            for lo in range(0, h, 16):
                zbuf[i, pl.ds(lo, 16)] = z16
            return carry

        lax.fori_loop(0, rows_per_tile, zero_body, 0)
        pltpu.sync_copy(zbuf, s_sh.at[pl.ds(s * rows_per_tile, rows_per_tile)])
        plsc.subcore_barrier()

        def g_desc(j, b):
            return pltpu.make_async_copy(m_sh.at[src_v.at[j]], bufs[b],
                                         gsems[b])

        for b in range(_NBUF):
            g_desc(b, b).start()

        n_rounds = k_blk // _NBUF

        def body(jj, carry):
            j0 = jj * _NBUF
            scats = []
            for b in range(_NBUF):
                g_desc(j0 + b, b).wait()
                scats.append(pltpu.async_copy(
                    bufs[b], s_sh.at[dst_v.at[j0 + b]], ssems[b], add=True))
            for b in range(_NBUF):
                scats[b].wait()

                @pl.when(jj < n_rounds - 1)
                def _(b=b):
                    g_desc(j0 + b + _NBUF, b).start()

            return carry

        lax.fori_loop(0, n_rounds, body, 0)
        plsc.subcore_barrier()
        pltpu.sync_copy(
            s_sh.at[pl.ds(s * rows_per_tile, rows_per_tile)],
            out_hbm.at[c, pl.ds(s * rows_per_tile, rows_per_tile), :],
        )

    return k


def _tc1_body(n, n_s, x_ref, wg_ref, w1_ref, degp_ref, m_ref, dis_ref):
    deg = 1.0 + degp_ref[0, :, 0] + degp_ref[1, :, 0]
    y = lax.rsqrt(deg)
    dis_full = y * (1.5 - 0.5 * deg * y * y)
    dis = dis_full[:n]
    wc = jnp.dot(wg_ref[...], w1_ref[...], preferred_element_type=jnp.float32)
    hc = jnp.dot(x_ref[...], wc, preferred_element_type=jnp.float32)
    m_ref[:n, :] = hc * dis[:, None]
    m_ref[n:, :] = jnp.zeros((n_s - n, hc.shape[1]), jnp.float32)
    dis_ref[...] = dis_full.reshape(dis_ref.shape)


def _tc2_body(n, s_ref, m_ref, dis_ref, bg_ref, w1_ref, b1_ref,
              w2_ref, b2_ref, w3_ref, b3_ref, out_ref):
    dis = dis_ref[...].reshape(-1)[:n]
    s_sum = s_ref[0, :n, :] + s_ref[1, :n, :]
    agg = dis[:, None] * (s_sum + m_ref[:n, :])
    bc = jnp.dot(bg_ref[...], w1_ref[...],
                 preferred_element_type=jnp.float32) + b1_ref[...]
    a = jnp.maximum(agg + bc, 0.0)
    a = jnp.maximum(
        jnp.dot(a, w2_ref[...], preferred_element_type=jnp.float32)
        + b2_ref[...], 0.0)
    out_ref[...] = (jnp.dot(a, w3_ref[...], preferred_element_type=jnp.float32)
                    + b3_ref[...])


def kernel(x, edge_index, W_g, b_g, W1, b1, W2, b2, W3, b3):
    n, d = x.shape
    e = edge_index.shape[1]
    h = W1.shape[1]

    c_blk = None
    if e % _NW == 0:
        e_pt = e // _NW
        for cand in range(128, 63, -1):
            if e_pt % cand == 0 and (e_pt // cand) % _NBUF == 0:
                c_blk = cand
                break
    n_s = ((n + 1 + 127) // 128) * 128
    if c_blk is not None:
        k_blk = e // (_NW * c_blk)
        ei4 = edge_index.reshape(2, _NW, k_blk, c_blk)
    else:
        c_blk = 128
        k_blk = -(-e // (_NW * c_blk))
        k_blk = ((k_blk + _NBUF - 1) // _NBUF) * _NBUF
        e_pad = _NW * c_blk * k_blk
        pad = e_pad - e
        src_p = jnp.concatenate([edge_index[0],
                                 jnp.zeros((pad,), edge_index.dtype)])
        dst_p = jnp.concatenate([edge_index[1],
                                 jnp.full((pad,), n, edge_index.dtype)])
        ei4 = jnp.stack([src_p, dst_p]).reshape(2, _NW, k_blk, c_blk)

    degp = _deg_kernel(n_s, k_blk, c_blk)(ei4)

    m, dis2 = pl.pallas_call(
        functools.partial(_tc1_body, n, n_s),
        out_shape=[
            jax.ShapeDtypeStruct((n_s, h), jnp.float32),
            jax.ShapeDtypeStruct((n_s // 128, 128), jnp.float32),
        ],
    )(x, W_g, W1, degp)

    s_part = _scatter_kernel(n, n_s, h, k_blk, c_blk)(m, ei4)

    actions = pl.pallas_call(
        functools.partial(_tc2_body, n),
        out_shape=jax.ShapeDtypeStruct((n, 1), jnp.float32),
    )(s_part, m, dis2, b_g.reshape(1, d), W1, b1.reshape(1, h),
      W2, b2.reshape(1, h), W3, b3.reshape(1, 1))
    return actions

# --- scband reference (transcript-rebuilt; emitter-appended) ---
"""Pipeline reference for scband-actor-network-88261577932855 (READ-ONLY COPY).

The authoritative reference and input builder live on the scoring server;
editing this copy changes nothing except your own understanding.
"""

import jax, jax.numpy as jnp
import numpy as np

N = 10000
E = 320000
D = 128
H = 32


def setup_inputs(seed: int = 0) -> dict:
    key = jax.random.key(seed)
    ks = jax.random.split(key, 12)
    x = jax.random.normal(ks[0], (N, D), dtype=jnp.float32)
    edge_index = jax.random.randint(ks[1], (2, E), 0, N, dtype=jnp.int32)
    # GraphEncoder / GCNConv weight (g_in_size -> g_in_size)
    W_g = jax.random.normal(ks[2], (D, D), dtype=jnp.float32) * (1.0 / np.sqrt(D))
    b_g = jnp.zeros((D,), dtype=jnp.float32)
    # linear1: D -> 32
    W1 = jax.random.normal(ks[3], (D, H), dtype=jnp.float32) * (1.0 / np.sqrt(D))
    b1 = jnp.zeros((H,), dtype=jnp.float32)
    # linear2: 32 -> 32
    W2 = jax.random.normal(ks[4], (H, H), dtype=jnp.float32) * (1.0 / np.sqrt(H))
    b2 = jnp.zeros((H,), dtype=jnp.float32)
    # linear3: 32 -> 1
    W3 = jax.random.normal(ks[5], (H, 1), dtype=jnp.float32) * (1.0 / np.sqrt(H))
    b3 = jnp.zeros((1,), dtype=jnp.float32)
    return {"x": x, "edge_index": edge_index, "W_g": W_g, "b_g": b_g,
            "W1": W1, "b1": b1, "W2": W2, "b2": b2, "W3": W3, "b3": b3}


def _gcn_encode(x, edge_index, W_g, b_g):
    # GCNConv-style message passing with self loops and symmetric normalization
    src = edge_index[0]
    dst = edge_index[1]
    loop = jnp.arange(N, dtype=src.dtype)
    src = jnp.concatenate([src, loop])
    dst = jnp.concatenate([dst, loop])
    deg = jnp.zeros((N,), dtype=jnp.float32).at[dst].add(1.0)
    deg_inv_sqrt = jnp.where(deg > 0, jax.lax.rsqrt(jnp.maximum(deg, 1.0)), 0.0)
    norm = deg_inv_sqrt[src] * deg_inv_sqrt[dst]
    h = x @ W_g
    msg = norm[:, None] * jnp.take(h, src, axis=0)
    out = jnp.zeros((N, D), dtype=jnp.float32).at[dst].add(msg)
    return out + b_g


def reference(x, edge_index, W_g, b_g, W1, b1, W2, b2, W3, b3):
    embedding = _gcn_encode(x, edge_index, W_g, b_g)
    a = jax.nn.relu(embedding @ W1 + b1)
    a = jax.nn.relu(a @ W2 + b2)
    actions = a @ W3 + b3
    return actions

if __name__ == "__main__":
    import jax
    _d = setup_inputs()
    print(jax.jit(kernel)(*tuple(_d.values())))

</pallas_src>

<mosaic_0001>
#map = affine_map<(d0, d1) -> (0, 0)>
#map1 = affine_map<(d0, d1) -> (0, 0, 0, 0)>
#map2 = affine_map<(d0, d1) -> (0, 0, 0)>
module attributes {stable_mosaic.version = 14 : i64} {
  func.func @k(%arg0: i32, %arg1: i32, %arg2: memref<10112x32xf32, #tpu.memory_space<hbm>>, %arg3: memref<2x32x80x125xi32, #tpu.memory_space<hbm>>, %arg4: memref<2x10112x32xf32, #tpu.memory_space<hbm>>, %arg5: memref<80x125xi32, #tpu.memory_space<vmem>>, %arg6: memref<80x125xi32, #tpu.memory_space<vmem>>, %arg7: memref<125x32xf32, #tpu.memory_space<vmem>>, %arg8: memref<125x32xf32, #tpu.memory_space<vmem>>, %arg9: memref<125x32xf32, #tpu.memory_space<vmem>>, %arg10: memref<125x32xf32, #tpu.memory_space<vmem>>, %arg11: memref<125x32xf32, #tpu.memory_space<vmem>>, %arg12: memref<125x32xf32, #tpu.memory_space<vmem>>, %arg13: memref<125x32xf32, #tpu.memory_space<vmem>>, %arg14: memref<125x32xf32, #tpu.memory_space<vmem>>, %arg15: memref<632x32xf32, #tpu.memory_space<vmem>>, %arg16: memref<10112x32xf32, #tpu.memory_space<vmem_shared>>, %arg17: memref<10112x32xf32, #tpu.memory_space<vmem_shared>>, %arg18: memref<!tpu.dma_semaphore, #tpu.memory_space<semaphore_mem>>, %arg19: memref<!tpu.dma_semaphore, #tpu.memory_space<semaphore_mem>>, %arg20: memref<!tpu.dma_semaphore, #tpu.memory_space<semaphore_mem>>, %arg21: memref<!tpu.dma_semaphore, #tpu.memory_space<semaphore_mem>>, %arg22: memref<!tpu.dma_semaphore, #tpu.memory_space<semaphore_mem>>, %arg23: memref<!tpu.dma_semaphore, #tpu.memory_space<semaphore_mem>>, %arg24: memref<!tpu.dma_semaphore, #tpu.memory_space<semaphore_mem>>, %arg25: memref<!tpu.dma_semaphore, #tpu.memory_space<semaphore_mem>>, %arg26: memref<!tpu.dma_semaphore, #tpu.memory_space<semaphore_mem>>, %arg27: memref<!tpu.dma_semaphore, #tpu.memory_space<semaphore_mem>>, %arg28: memref<!tpu.dma_semaphore, #tpu.memory_space<semaphore_mem>>, %arg29: memref<!tpu.dma_semaphore, #tpu.memory_space<semaphore_mem>>, %arg30: memref<!tpu.dma_semaphore, #tpu.memory_space<semaphore_mem>>, %arg31: memref<!tpu.dma_semaphore, #tpu.memory_space<semaphore_mem>>, %arg32: memref<!tpu.dma_semaphore, #tpu.memory_space<semaphore_mem>>, %arg33: memref<!tpu.dma_semaphore, #tpu.memory_space<semaphore_mem>>) attributes {dimension_semantics = [#tpu.dimension_semantics<core_parallel>, #tpu.dimension_semantics<subcore_parallel>], iteration_bounds = array<i64: 2, 16>, scalar_prefetch = 0 : i64, scratch_operands = 29 : i64, tpu.core_type = #tpu.core_type<sc_vector_subcore>, window_params = [{transform_indices = #map}, {transform_indices = #map1}, {transform_indices = #map2}]} {
    %mul3A = arith.constant 2 : i32
    %mul3A_0 = arith.muli %arg1, %mul3A : i32
    %add3A = arith.addi %mul3A_0, %arg0 : i32
    %run_scoped3A = arith.constant 0 : i32
    "tpu.region"() ({
      %run_scoped3A_80 = tpu.sem_alloc : memref<!tpu.dma_semaphore, #tpu.memory_space<semaphore_mem>>
      %dma_start3A_81 = arith.constant 0 : i32
      %dma_start3A_82 = arith.constant 0 : i32
      %dma_start3A_83 = tpu.memref_slice %arg3[%run_scoped3A, %add3A, %dma_start3A_81, %dma_start3A_82] : memref<2x32x80x125xi32, #tpu.memory_space<hbm>> -> memref<1x1x80x125xi32, #tpu.memory_space<hbm>>
      %dma_start3A_84 = tpu.memref_squeeze %dma_start3A_83 : memref<1x1x80x125xi32, #tpu.memory_space<hbm>> -> memref<80x125xi32, #tpu.memory_space<hbm>>
      %dma_start3A_85 = arith.constant 0 : i32
      %dma_start3A_86 = arith.constant 0 : i32
      %dma_start3A_87 = tpu.memref_slice %arg3[%run_scoped3A, %add3A, %dma_start3A_85, %dma_start3A_86] : memref<2x32x80x125xi32, #tpu.memory_space<hbm>> -> memref<1x1x80x125xi32, #tpu.memory_space<hbm>>
      %dma_start3A_88 = tpu.memref_squeeze %dma_start3A_87 : memref<1x1x80x125xi32, #tpu.memory_space<hbm>> -> memref<80x125xi32, #tpu.memory_space<hbm>>
      tpu.enqueue_dma source(%dma_start3A_88 : memref<80x125xi32, #tpu.memory_space<hbm>>) target(%arg5 : memref<80x125xi32, #tpu.memory_space<vmem>>) target_semaphore(%run_scoped3A_80 : memref<!tpu.dma_semaphore, #tpu.memory_space<semaphore_mem>>)
      %dma_wait3A = arith.constant 0 : i32
      %dma_wait3A_89 = arith.constant 0 : i32
      %dma_wait3A_90 = tpu.memref_slice %arg3[%run_scoped3A, %add3A, %dma_wait3A, %dma_wait3A_89] : memref<2x32x80x125xi32, #tpu.memory_space<hbm>> -> memref<1x1x80x125xi32, #tpu.memory_space<hbm>>
      %dma_wait3A_91 = tpu.memref_squeeze %dma_wait3A_90 : memref<1x1x80x125xi32, #tpu.memory_space<hbm>> -> memref<80x125xi32, #tpu.memory_space<hbm>>
      %dma_wait3A_92 = arith.constant 0 : i32
      %dma_wait3A_93 = arith.constant 0 : i32
      %dma_wait3A_94 = tpu.memref_slice %arg3[%run_scoped3A, %add3A, %dma_wait3A_92, %dma_wait3A_93] : memref<2x32x80x125xi32, #tpu.memory_space<hbm>> -> memref<1x1x80x125xi32, #tpu.memory_space<hbm>>
      %dma_wait3A_95 = tpu.memref_squeeze %dma_wait3A_94 : memref<1x1x80x125xi32, #tpu.memory_space<hbm>> -> memref<80x125xi32, #tpu.memory_space<hbm>>
      tpu.wait_dma2 semaphore(%run_scoped3A_80 : memref<!tpu.dma_semaphore, #tpu.memory_space<semaphore_mem>>) src(%dma_wait3A_95 : memref<80x125xi32, #tpu.memory_space<hbm>>) dst(%arg5 : memref<80x125xi32, #tpu.memory_space<vmem>>)
      tpu.yield
    }) : () -> ()
    %run_scoped3A_1 = arith.constant 1 : i32
    "tpu.region"() ({
      %run_scoped3A_80 = tpu.sem_alloc : memref<!tpu.dma_semaphore, #tpu.memory_space<semaphore_mem>>
      %dma_start3A_81 = arith.constant 0 : i32
      %dma_start3A_82 = arith.constant 0 : i32
      %dma_start3A_83 = tpu.memref_slice %arg3[%run_scoped3A_1, %add3A, %dma_start3A_81, %dma_start3A_82] : memref<2x32x80x125xi32, #tpu.memory_space<hbm>> -> memref<1x1x80x125xi32, #tpu.memory_space<hbm>>
      %dma_start3A_84 = tpu.memref_squeeze %dma_start3A_83 : memref<1x1x80x125xi32, #tpu.memory_space<hbm>> -> memref<80x125xi32, #tpu.memory_space<hbm>>
      %dma_start3A_85 = arith.constant 0 : i32
      %dma_start3A_86 = arith.constant 0 : i32
      %dma_start3A_87 = tpu.memref_slice %arg3[%run_scoped3A_1, %add3A, %dma_start3A_85, %dma_start3A_86] : memref<2x32x80x125xi32, #tpu.memory_space<hbm>> -> memref<1x1x80x125xi32, #tpu.memory_space<hbm>>
      %dma_start3A_88 = tpu.memref_squeeze %dma_start3A_87 : memref<1x1x80x125xi32, #tpu.memory_space<hbm>> -> memref<80x125xi32, #tpu.memory_space<hbm>>
      tpu.enqueue_dma source(%dma_start3A_88 : memref<80x125xi32, #tpu.memory_space<hbm>>) target(%arg6 : memref<80x125xi32, #tpu.memory_space<vmem>>) target_semaphore(%run_scoped3A_80 : memref<!tpu.dma_semaphore, #tpu.memory_space<semaphore_mem>>)
      %dma_wait3A = arith.constant 0 : i32
      %dma_wait3A_89 = arith.constant 0 : i32
      %dma_wait3A_90 = tpu.memref_slice %arg3[%run_scoped3A_1, %add3A, %dma_wait3A, %dma_wait3A_89] : memref<2x32x80x125xi32, #tpu.memory_space<hbm>> -> memref<1x1x80x125xi32, #tpu.memory_space<hbm>>
      %dma_wait3A_91 = tpu.memref_squeeze %dma_wait3A_90 : memref<1x1x80x125xi32, #tpu.memory_space<hbm>> -> memref<80x125xi32, #tpu.memory_space<hbm>>
      %dma_wait3A_92 = arith.constant 0 : i32
      %dma_wait3A_93 = arith.constant 0 : i32
      %dma_wait3A_94 = tpu.memref_slice %arg3[%run_scoped3A_1, %add3A, %dma_wait3A_92, %dma_wait3A_93] : memref<2x32x80x125xi32, #tpu.memory_space<hbm>> -> memref<1x1x80x125xi32, #tpu.memory_space<hbm>>
      %dma_wait3A_95 = tpu.memref_squeeze %dma_wait3A_94 : memref<1x1x80x125xi32, #tpu.memory_space<hbm>> -> memref<80x125xi32, #tpu.memory_space<hbm>>
      tpu.wait_dma2 semaphore(%run_scoped3A_80 : memref<!tpu.dma_semaphore, #tpu.memory_space<semaphore_mem>>) src(%dma_wait3A_95 : memref<80x125xi32, #tpu.memory_space<hbm>>) dst(%arg6 : memref<80x125xi32, #tpu.memory_space<vmem>>)
      tpu.yield
    }) : () -> ()
    %mul3A_2 = arith.constant 632 : i32
    %mul3A_3 = arith.muli %arg1, %mul3A_2 : i32
    %mul3A_4 = arith.constant 632 : i32
    %mul3A_5 = arith.muli %arg1, %mul3A_4 : i32
    "tpu.region"() ({
      %run_scoped3A_80 = tpu.sem_alloc : memref<!tpu.dma_semaphore, #tpu.memory_space<semaphore_mem>>
      %dma_start3A_81 = arith.constant 0 : i32
      %dma_start3A_82 = tpu.memref_slice %arg17[%mul3A_5, %dma_start3A_81] : memref<10112x32xf32, #tpu.memory_space<vmem_shared>> -> memref<632x32xf32, #tpu.memory_space<vmem_shared>>
      %dma_start3A_83 = arith.constant 0 : i32
      %dma_start3A_84 = tpu.memref_slice %arg2[%mul3A_3, %dma_start3A_83] : memref<10112x32xf32, #tpu.memory_space<hbm>> -> memref<632x32xf32, #tpu.memory_space<hbm>>
      tpu.enqueue_dma source(%dma_start3A_84 : memref<632x32xf32, #tpu.memory_space<hbm>>) target(%dma_start3A_82 : memref<632x32xf32, #tpu.memory_space<vmem_shared>>) target_semaphore(%run_scoped3A_80 : memref<!tpu.dma_semaphore, #tpu.memory_space<semaphore_mem>>)
      %dma_wait3A = arith.constant 0 : i32
      %dma_wait3A_85 = tpu.memref_slice %arg17[%mul3A_5, %dma_wait3A] : memref<10112x32xf32, #tpu.memory_space<vmem_shared>> -> memref<632x32xf32, #tpu.memory_space<vmem_shared>>
      %dma_wait3A_86 = arith.constant 0 : i32
      %dma_wait3A_87 = tpu.memref_slice %arg2[%mul3A_3, %dma_wait3A_86] : memref<10112x32xf32, #tpu.memory_space<hbm>> -> memref<632x32xf32, #tpu.memory_space<hbm>>
      tpu.wait_dma2 semaphore(%run_scoped3A_80 : memref<!tpu.dma_semaphore, #tpu.memory_space<semaphore_mem>>) src(%dma_wait3A_87 : memref<632x32xf32, #tpu.memory_space<hbm>>) dst(%dma_wait3A_85 : memref<632x32xf32, #tpu.memory_space<vmem_shared>>)
      tpu.yield
    }) : () -> ()
    %broadcast_in_dim3A = arith.constant 0.000000e+00 : f32
    %broadcast_in_dim3A_6 = vector.broadcast %broadcast_in_dim3A : f32 to vector<16xf32>
    %scan3A = arith.constant 0 : i32
    %scan3A_7 = arith.constant 0 : i32
    %scan3A_8 = arith.constant 632 : i32
    %scan3A_9 = arith.addi %scan3A_7, %scan3A_8 : i32
    %scan3A_10 = arith.constant 1 : i32
    scf.for %scan3A_80 = %scan3A_7 to %scan3A_9 step %scan3A_10  : i32 {
      %swap3A = arith.index_cast %scan3A_80 : i32 to index
      %swap3A_81 = arith.constant 0 : index
      %swap3A_82 = tpu.vector_load %arg15[%swap3A, %swap3A_81] {strides = array<i32>} : memref<632x32xf32, #tpu.memory_space<vmem>>, vector<1x16xf32>,
      %swap3A_83 = vector.shape_cast %swap3A_82 : vector<1x16xf32> to vector<16xf32>
      %swap3A_84 = vector.shape_cast %broadcast_in_dim3A_6 : vector<16xf32> to vector<1x16xf32>
      tpu.vector_store %arg15[%swap3A, %swap3A_81], %swap3A_84 {strides = array<i32>} : memref<632x32xf32, #tpu.memory_space<vmem>>, vector<1x16xf32>,
      %swap3A_85 = arith.index_cast %scan3A_80 : i32 to index
      %swap3A_86 = arith.constant 16 : index
      %swap3A_87 = tpu.vector_load %arg15[%swap3A_85, %swap3A_86] {strides = array<i32>} : memref<632x32xf32, #tpu.memory_space<vmem>>, vector<1x16xf32>,
      %swap3A_88 = vector.shape_cast %swap3A_87 : vector<1x16xf32> to vector<16xf32>
      %swap3A_89 = vector.shape_cast %broadcast_in_dim3A_6 : vector<16xf32> to vector<1x16xf32>
      tpu.vector_store %arg15[%swap3A_85, %swap3A_86], %swap3A_89 {strides = array<i32>} : memref<632x32xf32, #tpu.memory_space<vmem>>, vector<1x16xf32>,
    }
    %scan3A_11 = arith.constant 632 : i32
    %mul3A_12 = arith.constant 632 : i32
    %mul3A_13 = arith.muli %arg1, %mul3A_12 : i32
    "tpu.region"() ({
      %run_scoped3A_80 = tpu.sem_alloc : memref<!tpu.dma_semaphore, #tpu.memory_space<semaphore_mem>>
      %dma_start3A_81 = arith.constant 0 : i32
      %dma_start3A_82 = tpu.memref_slice %arg16[%mul3A_13, %dma_start3A_81] : memref<10112x32xf32, #tpu.memory_space<vmem_shared>> -> memref<632x32xf32, #tpu.memory_space<vmem_shared>>
      %dma_start3A_83 = arith.constant 0 : i32
      %dma_start3A_84 = tpu.memref_slice %arg16[%mul3A_13, %dma_start3A_83] : memref<10112x32xf32, #tpu.memory_space<vmem_shared>> -> memref<632x32xf32, #tpu.memory_space<vmem_shared>>
      tpu.enqueue_dma source(%arg15 : memref<632x32xf32, #tpu.memory_space<vmem>>) target(%dma_start3A_84 : memref<632x32xf32, #tpu.memory_space<vmem_shared>>) target_semaphore(%run_scoped3A_80 : memref<!tpu.dma_semaphore, #tpu.memory_space<semaphore_mem>>)
      %dma_wait3A = arith.constant 0 : i32
      %dma_wait3A_85 = tpu.memref_slice %arg16[%mul3A_13, %dma_wait3A] : memref<10112x32xf32, #tpu.memory_space<vmem_shared>> -> memref<632x32xf32, #tpu.memory_space<vmem_shared>>
      %dma_wait3A_86 = arith.constant 0 : i32
      %dma_wait3A_87 = tpu.memref_slice %arg16[%mul3A_13, %dma_wait3A_86] : memref<10112x32xf32, #tpu.memory_space<vmem_shared>> -> memref<632x32xf32, #tpu.memory_space<vmem_shared>>
      tpu.wait_dma2 semaphore(%run_scoped3A_80 : memref<!tpu.dma_semaphore, #tpu.memory_space<semaphore_mem>>) src(%arg15 : memref<632x32xf32, #tpu.memory_space<vmem>>) dst(%dma_wait3A_87 : memref<632x32xf32, #tpu.memory_space<vmem_shared>>)
      tpu.yield
    }) : () -> ()
    %barrier3A = arith.constant 0 : index
    tpu.barrier barrier_id(%barrier3A)
    %dma_start3A = arith.constant 0 : i32
    %dma_start3A_14 = arith.constant 0 : i32
    %dma_start3A_15 = tpu.memref_slice %arg5[%dma_start3A, %dma_start3A_14] : memref<80x125xi32, #tpu.memory_space<vmem>> -> memref<1x125xi32, #tpu.memory_space<vmem>>
    %dma_start3A_16 = tpu.memref_squeeze %dma_start3A_15 : memref<1x125xi32, #tpu.memory_space<vmem>> -> memref<125xi32, #tpu.memory_space<vmem>>
    %dma_start3A_17 = arith.constant 0 : i32
    %dma_start3A_18 = arith.constant 0 : i32
    %dma_start3A_19 = tpu.memref_slice %arg17[%dma_start3A_17, %dma_start3A_18] : memref<10112x32xf32, #tpu.memory_space<vmem_shared>> -> memref<10112x32xf32, #tpu.memory_space<vmem_shared>>
    tpu.enqueue_indirect_dma source(%dma_start3A_19 : memref<10112x32xf32, #tpu.memory_space<vmem_shared>>) target(%arg7 : memref<125x32xf32, #tpu.memory_space<vmem>>) offsets(%dma_start3A_16 : memref<125xi32, #tpu.memory_space<vmem>>) semaphore(%arg18 : memref<!tpu.dma_semaphore, #tpu.memory_space<semaphore_mem>>)
    %dma_start3A_20 = arith.constant 1 : i32
    %dma_start3A_21 = arith.constant 0 : i32
    %dma_start3A_22 = tpu.memref_slice %arg5[%dma_start3A_20, %dma_start3A_21] : memref<80x125xi32, #tpu.memory_space<vmem>> -> memref<1x125xi32, #tpu.memory_space<vmem>>
    %dma_start3A_23 = tpu.memref_squeeze %dma_start3A_22 : memref<1x125xi32, #tpu.memory_space<vmem>> -> memref<125xi32, #tpu.memory_space<vmem>>
    %dma_start3A_24 = arith.constant 0 : i32
    %dma_start3A_25 = arith.constant 0 : i32
    %dma_start3A_26 = tpu.memref_slice %arg17[%dma_start3A_24, %dma_start3A_25] : memref<10112x32xf32, #tpu.memory_space<vmem_shared>> -> memref<10112x32xf32, #tpu.memory_space<vmem_shared>>
    tpu.enqueue_indirect_dma source(%dma_start3A_26 : memref<10112x32xf32, #tpu.memory_space<vmem_shared>>) target(%arg8 : memref<125x32xf32, #tpu.memory_space<vmem>>) offsets(%dma_start3A_23 : memref<125xi32, #tpu.memory_space<vmem>>) semaphore(%arg19 : memref<!tpu.dma_semaphore, #tpu.memory_space<semaphore_mem>>)
    %dma_start3A_27 = arith.constant 2 : i32
    %dma_start3A_28 = arith.constant 0 : i32
    %dma_start3A_29 = tpu.memref_slice %arg5[%dma_start3A_27, %dma_start3A_28] : memref<80x125xi32, #tpu.memory_space<vmem>> -> memref<1x125xi32, #tpu.memory_space<vmem>>
    %dma_start3A_30 = tpu.memref_squeeze %dma_start3A_29 : memref<1x125xi32, #tpu.memory_space<vmem>> -> memref<125xi32, #tpu.memory_space<vmem>>
    %dma_start3A_31 = arith.constant 0 : i32
    %dma_start3A_32 = arith.constant 0 : i32
    %dma_start3A_33 = tpu.memref_slice %arg17[%dma_start3A_31, %dma_start3A_32] : memref<10112x32xf32, #tpu.memory_space<vmem_shared>> -> memref<10112x32xf32, #tpu.memory_space<vmem_shared>>
    tpu.enqueue_indirect_dma source(%dma_start3A_33 : memref<10112x32xf32, #tpu.memory_space<vmem_shared>>) target(%arg9 : memref<125x32xf32, #tpu.memory_space<vmem>>) offsets(%dma_start3A_30 : memref<125xi32, #tpu.memory_space<vmem>>) semaphore(%arg20 : memref<!tpu.dma_semaphore, #tpu.memory_space<semaphore_mem>>)
    %dma_start3A_34 = arith.constant 3 : i32
    %dma_start3A_35 = arith.constant 0 : i32
    %dma_start3A_36 = tpu.memref_slice %arg5[%dma_start3A_34, %dma_start3A_35] : memref<80x125xi32, #tpu.memory_space<vmem>> -> memref<1x125xi32, #tpu.memory_space<vmem>>
    %dma_start3A_37 = tpu.memref_squeeze %dma_start3A_36 : memref<1x125xi32, #tpu.memory_space<vmem>> -> memref<125xi32, #tpu.memory_space<vmem>>
    %dma_start3A_38 = arith.constant 0 : i32
    %dma_start3A_39 = arith.constant 0 : i32
    %dma_start3A_40 = tpu.memref_slice %arg17[%dma_start3A_38, %dma_start3A_39] : memref<10112x32xf32, #tpu.memory_space<vmem_shared>> -> memref<10112x32xf32, #tpu.memory_space<vmem_shared>>
    tpu.enqueue_indirect_dma source(%dma_start3A_40 : memref<10112x32xf32, #tpu.memory_space<vmem_shared>>) target(%arg10 : memref<125x32xf32, #tpu.memory_space<vmem>>) offsets(%dma_start3A_37 : memref<125xi32, #tpu.memory_space<vmem>>) semaphore(%arg21 : memref<!tpu.dma_semaphore, #tpu.memory_space<semaphore_mem>>)
    %dma_start3A_41 = arith.constant 4 : i32
    %dma_start3A_42 = arith.constant 0 : i32
    %dma_start3A_43 = tpu.memref_slice %arg5[%dma_start3A_41, %dma_start3A_42] : memref<80x125xi32, #tpu.memory_space<vmem>> -> memref<1x125xi32, #tpu.memory_space<vmem>>
    %dma_start3A_44 = tpu.memref_squeeze %dma_start3A_43 : memref<1x125xi32, #tpu.memory_space<vmem>> -> memref<125xi32, #tpu.memory_space<vmem>>
    %dma_start3A_45 = arith.constant 0 : i32
    %dma_start3A_46 = arith.constant 0 : i32
    %dma_start3A_47 = tpu.memref_slice %arg17[%dma_start3A_45, %dma_start3A_46] : memref<10112x32xf32, #tpu.memory_space<vmem_shared>> -> memref<10112x32xf32, #tpu.memory_space<vmem_shared>>
    tpu.enqueue_indirect_dma source(%dma_start3A_47 : memref<10112x32xf32, #tpu.memory_space<vmem_shared>>) target(%arg11 : memref<125x32xf32, #tpu.memory_space<vmem>>) offsets(%dma_start3A_44 : memref<125xi32, #tpu.memory_space<vmem>>) semaphore(%arg22 : memref<!tpu.dma_semaphore, #tpu.memory_space<semaphore_mem>>)
    %dma_start3A_48 = arith.constant 5 : i32
    %dma_start3A_49 = arith.constant 0 : i32
    %dma_start3A_50 = tpu.memref_slice %arg5[%dma_start3A_48, %dma_start3A_49] : memref<80x125xi32, #tpu.memory_space<vmem>> -> memref<1x125xi32, #tpu.memory_space<vmem>>
    %dma_start3A_51 = tpu.memref_squeeze %dma_start3A_50 : memref<1x125xi32, #tpu.memory_space<vmem>> -> memref<125xi32, #tpu.memory_space<vmem>>
    %dma_start3A_52 = arith.constant 0 : i32
    %dma_start3A_53 = arith.constant 0 : i32
    %dma_start3A_54 = tpu.memref_slice %arg17[%dma_start3A_52, %dma_start3A_53] : memref<10112x32xf32, #tpu.memory_space<vmem_shared>> -> memref<10112x32xf32, #tpu.memory_space<vmem_shared>>
    tpu.enqueue_indirect_dma source(%dma_start3A_54 : memref<10112x32xf32, #tpu.memory_space<vmem_shared>>) target(%arg12 : memref<125x32xf32, #tpu.memory_space<vmem>>) offsets(%dma_start3A_51 : memref<125xi32, #tpu.memory_space<vmem>>) semaphore(%arg23 : memref<!tpu.dma_semaphore, #tpu.memory_space<semaphore_mem>>)
    %dma_start3A_55 = arith.constant 6 : i32
    %dma_start3A_56 = arith.constant 0 : i32
    %dma_start3A_57 = tpu.memref_slice %arg5[%dma_start3A_55, %dma_start3A_56] : memref<80x125xi32, #tpu.memory_space<vmem>> -> memref<1x125xi32, #tpu.memory_space<vmem>>
    %dma_start3A_58 = tpu.memref_squeeze %dma_start3A_57 : memref<1x125xi32, #tpu.memory_space<vmem>> -> memref<125xi32, #tpu.memory_space<vmem>>
    %dma_start3A_59 = arith.constant 0 : i32
    %dma_start3A_60 = arith.constant 0 : i32
    %dma_start3A_61 = tpu.memref_slice %arg17[%dma_start3A_59, %dma_start3A_60] : memref<10112x32xf32, #tpu.memory_space<vmem_shared>> -> memref<10112x32xf32, #tpu.memory_space<vmem_shared>>
    tpu.enqueue_indirect_dma source(%dma_start3A_61 : memref<10112x32xf32, #tpu.memory_space<vmem_shared>>) target(%arg13 : memref<125x32xf32, #tpu.memory_space<vmem>>) offsets(%dma_start3A_58 : memref<125xi32, #tpu.memory_space<vmem>>) semaphore(%arg24 : memref<!tpu.dma_semaphore, #tpu.memory_space<semaphore_mem>>)
    %dma_start3A_62 = arith.constant 7 : i32
    %dma_start3A_63 = arith.constant 0 : i32
    %dma_start3A_64 = tpu.memref_slice %arg5[%dma_start3A_62, %dma_start3A_63] : memref<80x125xi32, #tpu.memory_space<vmem>> -> memref<1x125xi32, #tpu.memory_space<vmem>>
    %dma_start3A_65 = tpu.memref_squeeze %dma_start3A_64 : memref<1x125xi32, #tpu.memory_space<vmem>> -> memref<125xi32, #tpu.memory_space<vmem>>
    %dma_start3A_66 = arith.constant 0 : i32
    %dma_start3A_67 = arith.constant 0 : i32
    %dma_start3A_68 = tpu.memref_slice %arg17[%dma_start3A_66, %dma_start3A_67] : memref<10112x32xf32, #tpu.memory_space<vmem_shared>> -> memref<10112x32xf32, #tpu.memory_space<vmem_shared>>
    tpu.enqueue_indirect_dma source(%dma_start3A_68 : memref<10112x32xf32, #tpu.memory_space<vmem_shared>>) target(%arg14 : memref<125x32xf32, #tpu.memory_space<vmem>>) offsets(%dma_start3A_65 : memref<125xi32, #tpu.memory_space<vmem>>) semaphore(%arg25 : memref<!tpu.dma_semaphore, #tpu.memory_space<semaphore_mem>>)
    %scan3A_69 = arith.constant 0 : i32
    %scan3A_70 = arith.constant 0 : i32
    %scan3A_71 = arith.constant 10 : i32
    %scan3A_72 = arith.addi %scan3A_70, %scan3A_71 : i32
    %scan3A_73 = arith.constant 1 : i32
    scf.for %scan3A_80 = %scan3A_70 to %scan3A_72 step %scan3A_73  : i32 {
      %mul3A_81 = arith.constant 8 : i32
      %mul3A_82 = arith.muli %scan3A_80, %mul3A_81 : i32
      %add3A_83 = arith.constant 0 : i32
      %add3A_84 = arith.addi %mul3A_82, %add3A_83 : i32
      %dma_wait3A = arith.constant 0 : i32
      %dma_wait3A_85 = tpu.memref_slice %arg5[%add3A_84, %dma_wait3A] : memref<80x125xi32, #tpu.memory_space<vmem>> -> memref<1x125xi32, #tpu.memory_space<vmem>>
      %dma_wait3A_86 = tpu.memref_squeeze %dma_wait3A_85 : memref<1x125xi32, #tpu.memory_space<vmem>> -> memref<125xi32, #tpu.memory_space<vmem>>
      %dma_wait3A_87 = arith.constant 0 : i32
      %dma_wait3A_88 = arith.constant 0 : i32
      %dma_wait3A_89 = tpu.memref_slice %arg17[%dma_wait3A_87, %dma_wait3A_88] : memref<10112x32xf32, #tpu.memory_space<vmem_shared>> -> memref<10112x32xf32, #tpu.memory_space<vmem_shared>>
      tpu.wait_indirect_dma semaphore(%arg18 : memref<!tpu.dma_semaphore, #tpu.memory_space<semaphore_mem>>) src(%dma_wait3A_89 : memref<10112x32xf32, #tpu.memory_space<vmem_shared>>) dst(%arg7 : memref<125x32xf32, #tpu.memory_space<vmem>>)
      %add3A_90 = arith.constant 0 : i32
      %add3A_91 = arith.addi %mul3A_82, %add3A_90 : i32
      %dma_start3A_92 = arith.constant 0 : i32
      %dma_start3A_93 = tpu.memref_slice %arg6[%add3A_91, %dma_start3A_92] : memref<80x125xi32, #tpu.memory_space<vmem>> -> memref<1x125xi32, #tpu.memory_space<vmem>>
      %dma_start3A_94 = tpu.memref_squeeze %dma_start3A_93 : memref<1x125xi32, #tpu.memory_space<vmem>> -> memref<125xi32, #tpu.memory_space<vmem>>
      %dma_start3A_95 = arith.constant 0 : i32
      %dma_start3A_96 = arith.constant 0 : i32
      %dma_start3A_97 = tpu.memref_slice %arg16[%dma_start3A_95, %dma_start3A_96] : memref<10112x32xf32, #tpu.memory_space<vmem_shared>> -> memref<10112x32xf32, #tpu.memory_space<vmem_shared>>
      tpu.enqueue_indirect_dma source(%arg7 : memref<125x32xf32, #tpu.memory_space<vmem>>) target(%dma_start3A_97 : memref<10112x32xf32, #tpu.memory_space<vmem_shared>>) offsets(%dma_start3A_94 : memref<125xi32, #tpu.memory_space<vmem>>) semaphore(%arg26 : memref<!tpu.dma_semaphore, #tpu.memory_space<semaphore_mem>>) {add = true}
      %add3A_98 = arith.constant 1 : i32
      %add3A_99 = arith.addi %mul3A_82, %add3A_98 : i32
      %dma_wait3A_100 = arith.constant 0 : i32
      %dma_wait3A_101 = tpu.memref_slice %arg5[%add3A_99, %dma_wait3A_100] : memref<80x125xi32, #tpu.memory_space<vmem>> -> memref<1x125xi32, #tpu.memory_space<vmem>>
      %dma_wait3A_102 = tpu.memref_squeeze %dma_wait3A_101 : memref<1x125xi32, #tpu.memory_space<vmem>> -> memref<125xi32, #tpu.memory_space<vmem>>
      %dma_wait3A_103 = arith.constant 0 : i32
      %dma_wait3A_104 = arith.constant 0 : i32
      %dma_wait3A_105 = tpu.memref_slice %arg17[%dma_wait3A_103, %dma_wait3A_104] : memref<10112x32xf32, #tpu.memory_space<vmem_shared>> -> memref<10112x32xf32, #tpu.memory_space<vmem_shared>>
      tpu.wait_indirect_dma semaphore(%arg19 : memref<!tpu.dma_semaphore, #tpu.memory_space<semaphore_mem>>) src(%dma_wait3A_105 : memref<10112x32xf32, #tpu.memory_space<vmem_shared>>) dst(%arg8 : memref<125x32xf32, #tpu.memory_space<vmem>>)
      %add3A_106 = arith.constant 1 : i32
      %add3A_107 = arith.addi %mul3A_82, %add3A_106 : i32
      %dma_start3A_108 = arith.constant 0 : i32
      %dma_start3A_109 = tpu.memref_slice %arg6[%add3A_107, %dma_start3A_108] : memref<80x125xi32, #tpu.memory_space<vmem>> -> memref<1x125xi32, #tpu.memory_space<vmem>>
      %dma_start3A_110 = tpu.memref_squeeze %dma_start3A_109 : memref<1x125xi32, #tpu.memory_space<vmem>> -> memref<125xi32, #tpu.memory_space<vmem>>
      %dma_start3A_111 = arith.constant 0 : i32
      %dma_start3A_112 = arith.constant 0 : i32
      %dma_start3A_113 = tpu.memref_slice %arg16[%dma_start3A_111, %dma_start3A_112] : memref<10112x32xf32, #tpu.memory_space<vmem_shared>> -> memref<10112x32xf32, #tpu.memory_space<vmem_shared>>
      tpu.enqueue_indirect_dma source(%arg8 : memref<125x32xf32, #tpu.memory_space<vmem>>) target(%dma_start3A_113 : memref<10112x32xf32, #tpu.memory_space<vmem_shared>>) offsets(%dma_start3A_110 : memref<125xi32, #tpu.memory_space<vmem>>) semaphore(%arg27 : memref<!tpu.dma_semaphore, #tpu.memory_space<semaphore_mem>>) {add = true}
      %add3A_114 = arith.constant 2 : i32
      %add3A_115 = arith.addi %mul3A_82, %add3A_114 : i32
      %dma_wait3A_116 = arith.constant 0 : i32
      %dma_wait3A_117 = tpu.memref_slice %arg5[%add3A_115, %dma_wait3A_116] : memref<80x125xi32, #tpu.memory_space<vmem>> -> memref<1x125xi32, #tpu.memory_space<vmem>>
      %dma_wait3A_118 = tpu.memref_squeeze %dma_wait3A_117 : memref<1x125xi32, #tpu.memory_space<vmem>> -> memref<125xi32, #tpu.memory_space<vmem>>
      %dma_wait3A_119 = arith.constant 0 : i32
      %dma_wait3A_120 = arith.constant 0 : i32
      %dma_wait3A_121 = tpu.memref_slice %arg17[%dma_wait3A_119, %dma_wait3A_120] : memref<10112x32xf32, #tpu.memory_space<vmem_shared>> -> memref<10112x32xf32, #tpu.memory_space<vmem_shared>>
      tpu.wait_indirect_dma semaphore(%arg20 : memref<!tpu.dma_semaphore, #tpu.memory_space<semaphore_mem>>) src(%dma_wait3A_121 : memref<10112x32xf32, #tpu.memory_space<vmem_shared>>) dst(%arg9 : memref<125x32xf32, #tpu.memory_space<vmem>>)
      %add3A_122 = arith.constant 2 : i32
      %add3A_123 = arith.addi %mul3A_82, %add3A_122 : i32
      %dma_start3A_124 = arith.constant 0 : i32
      %dma_start3A_125 = tpu.memref_slice %arg6[%add3A_123, %dma_start3A_124] : memref<80x125xi32, #tpu.memory_space<vmem>> -> memref<1x125xi32, #tpu.memory_space<vmem>>
      %dma_start3A_126 = tpu.memref_squeeze %dma_start3A_125 : memref<1x125xi32, #tpu.memory_space<vmem>> -> memref<125xi32, #tpu.memory_space<vmem>>
      %dma_start3A_127 = arith.constant 0 : i32
      %dma_start3A_128 = arith.constant 0 : i32
      %dma_start3A_129 = tpu.memref_slice %arg16[%dma_start3A_127, %dma_start3A_128] : memref<10112x32xf32, #tpu.memory_space<vmem_shared>> -> memref<10112x32xf32, #tpu.memory_space<vmem_shared>>
      tpu.enqueue_indirect_dma source(%arg9 : memref<125x32xf32, #tpu.memory_space<vmem>>) target(%dma_start3A_129 : memref<10112x32xf32, #tpu.memory_space<vmem_shared>>) offsets(%dma_start3A_126 : memref<125xi32, #tpu.memory_space<vmem>>) semaphore(%arg28 : memref<!tpu.dma_semaphore, #tpu.memory_space<semaphore_mem>>) {add = true}
      %add3A_130 = arith.constant 3 : i32
      %add3A_131 = arith.addi %mul3A_82, %add3A_130 : i32
      %dma_wait3A_132 = arith.constant 0 : i32
      %dma_wait3A_133 = tpu.memref_slice %arg5[%add3A_131, %dma_wait3A_132] : memref<80x125xi32, #tpu.memory_space<vmem>> -> memref<1x125xi32, #tpu.memory_space<vmem>>
      %dma_wait3A_134 = tpu.memref_squeeze %dma_wait3A_133 : memref<1x125xi32, #tpu.memory_space<vmem>> -> memref<125xi32, #tpu.memory_space<vmem>>
      %dma_wait3A_135 = arith.constant 0 : i32
      %dma_wait3A_136 = arith.constant 0 : i32
      %dma_wait3A_137 = tpu.memref_slice %arg17[%dma_wait3A_135, %dma_wait3A_136] : memref<10112x32xf32, #tpu.memory_space<vmem_shared>> -> memref<10112x32xf32, #tpu.memory_space<vmem_shared>>
      tpu.wait_indirect_dma semaphore(%arg21 : memref<!tpu.dma_semaphore, #tpu.memory_space<semaphore_mem>>) src(%dma_wait3A_137 : memref<10112x32xf32, #tpu.memory_space<vmem_shared>>) dst(%arg10 : memref<125x32xf32, #tpu.memory_space<vmem>>)
      %add3A_138 = arith.constant 3 : i32
      %add3A_139 = arith.addi %mul3A_82, %add3A_138 : i32
      %dma_start3A_140 = arith.constant 0 : i32
      %dma_start3A_141 = tpu.memref_slice %arg6[%add3A_139, %dma_start3A_140] : memref<80x125xi32, #tpu.memory_space<vmem>> -> memref<1x125xi32, #tpu.memory_space<vmem>>
      %dma_start3A_142 = tpu.memref_squeeze %dma_start3A_141 : memref<1x125xi32, #tpu.memory_space<vmem>> -> memref<125xi32, #tpu.memory_space<vmem>>
      %dma_start3A_143 = arith.constant 0 : i32
      %dma_start3A_144 = arith.constant 0 : i32
      %dma_start3A_145 = tpu.memref_slice %arg16[%dma_start3A_143, %dma_start3A_144] : memref<10112x32xf32, #tpu.memory_space<vmem_shared>> -> memref<10112x32xf32, #tpu.memory_space<vmem_shared>>
      tpu.enqueue_indirect_dma source(%arg10 : memref<125x32xf32, #tpu.memory_space<vmem>>) target(%dma_start3A_145 : memref<10112x32xf32, #tpu.memory_space<vmem_shared>>) offsets(%dma_start3A_142 : memref<125xi32, #tpu.memory_space<vmem>>) semaphore(%arg29 : memref<!tpu.dma_semaphore, #tpu.memory_space<semaphore_mem>>) {add = true}
      %add3A_146 = arith.constant 4 : i32
      %add3A_147 = arith.addi %mul3A_82, %add3A_146 : i32
      %dma_wait3A_148 = arith.constant 0 : i32
      %dma_wait3A_149 = tpu.memref_slice %arg5[%add3A_147, %dma_wait3A_148] : memref<80x125xi32, #tpu.memory_space<vmem>> -> memref<1x125xi32, #tpu.memory_space<vmem>>
      %dma_wait3A_150 = tpu.memref_squeeze %dma_wait3A_149 : memref<1x125xi32, #tpu.memory_space<vmem>> -> memref<125xi32, #tpu.memory_space<vmem>>
      %dma_wait3A_151 = arith.constant 0 : i32
      %dma_wait3A_152 = arith.constant 0 : i32
      %dma_wait3A_153 = tpu.memref_slice %arg17[%dma_wait3A_151, %dma_wait3A_152] : memref<10112x32xf32, #tpu.memory_space<vmem_shared>> -> memref<10112x32xf32, #tpu.memory_space<vmem_shared>>
      tpu.wait_indirect_dma semaphore(%arg22 : memref<!tpu.dma_semaphore, #tpu.memory_space<semaphore_mem>>) src(%dma_wait3A_153 : memref<10112x32xf32, #tpu.memory_space<vmem_shared>>) dst(%arg11 : memref<125x32xf32, #tpu.memory_space<vmem>>)
      %add3A_154 = arith.constant 4 : i32
      %add3A_155 = arith.addi %mul3A_82, %add3A_154 : i32
      %dma_start3A_156 = arith.constant 0 : i32
      %dma_start3A_157 = tpu.memref_slice %arg6[%add3A_155, %dma_start3A_156] : memref<80x125xi32, #tpu.memory_space<vmem>> -> memref<1x125xi32, #tpu.memory_space<vmem>>
      %dma_start3A_158 = tpu.memref_squeeze %dma_start3A_157 : memref<1x125xi32, #tpu.memory_space<vmem>> -> memref<125xi32, #tpu.memory_space<vmem>>
      %dma_start3A_159 = arith.constant 0 : i32
      %dma_start3A_160 = arith.constant 0 : i32
      %dma_start3A_161 = tpu.memref_slice %arg16[%dma_start3A_159, %dma_start3A_160] : memref<10112x32xf32, #tpu.memory_space<vmem_shared>> -> memref<10112x32xf32, #tpu.memory_space<vmem_shared>>
      tpu.enqueue_indirect_dma source(%arg11 : memref<125x32xf32, #tpu.memory_space<vmem>>) target(%dma_start3A_161 : memref<10112x32xf32, #tpu.memory_space<vmem_shared>>) offsets(%dma_start3A_158 : memref<125xi32, #tpu.memory_space<vmem>>) semaphore(%arg30 : memref<!tpu.dma_semaphore, #tpu.memory_space<semaphore_mem>>) {add = true}
      %add3A_162 = arith.constant 5 : i32
      %add3A_163 = arith.addi %mul3A_82, %add3A_162 : i32
      %dma_wait3A_164 = arith.constant 0 : i32
      %dma_wait3A_165 = tpu.memref_slice %arg5[%add3A_163, %dma_wait3A_164] : memref<80x125xi32, #tpu.memory_space<vmem>> -> memref<1x125xi32, #tpu.memory_space<vmem>>
      %dma_wait3A_166 = tpu.memref_squeeze %dma_wait3A_165 : memref<1x125xi32, #tpu.memory_space<vmem>> -> memref<125xi32, #tpu.memory_space<vmem>>
      %dma_wait3A_167 = arith.constant 0 : i32
      %dma_wait3A_168 = arith.constant 0 : i32
      %dma_wait3A_169 = tpu.memref_slice %arg17[%dma_wait3A_167, %dma_wait3A_168] : memref<10112x32xf32, #tpu.memory_space<vmem_shared>> -> memref<10112x32xf32, #tpu.memory_space<vmem_shared>>
      tpu.wait_indirect_dma semaphore(%arg23 : memref<!tpu.dma_semaphore, #tpu.memory_space<semaphore_mem>>) src(%dma_wait3A_169 : memref<10112x32xf32, #tpu.memory_space<vmem_shared>>) dst(%arg12 : memref<125x32xf32, #tpu.memory_space<vmem>>)
      %add3A_170 = arith.constant 5 : i32
      %add3A_171 = arith.addi %mul3A_82, %add3A_170 : i32
      %dma_start3A_172 = arith.constant 0 : i32
      %dma_start3A_173 = tpu.memref_slice %arg6[%add3A_171, %dma_start3A_172] : memref<80x125xi32, #tpu.memory_space<vmem>> -> memref<1x125xi32, #tpu.memory_space<vmem>>
      %dma_start3A_174 = tpu.memref_squeeze %dma_start3A_173 : memref<1x125xi32, #tpu.memory_space<vmem>> -> memref<125xi32, #tpu.memory_space<vmem>>
      %dma_start3A_175 = arith.constant 0 : i32
      %dma_start3A_176 = arith.constant 0 : i32
      %dma_start3A_177 = tpu.memref_slice %arg16[%dma_start3A_175, %dma_start3A_176] : memref<10112x32xf32, #tpu.memory_space<vmem_shared>> -> memref<10112x32xf32, #tpu.memory_space<vmem_shared>>
      tpu.enqueue_indirect_dma source(%arg12 : memref<125x32xf32, #tpu.memory_space<vmem>>) target(%dma_start3A_177 : memref<10112x32xf32, #tpu.memory_space<vmem_shared>>) offsets(%dma_start3A_174 : memref<125xi32, #tpu.memory_space<vmem>>) semaphore(%arg31 : memref<!tpu.dma_semaphore, #tpu.memory_space<semaphore_mem>>) {add = true}
      %add3A_178 = arith.constant 6 : i32
      %add3A_179 = arith.addi %mul3A_82, %add3A_178 : i32
      %dma_wait3A_180 = arith.constant 0 : i32
      %dma_wait3A_181 = tpu.memref_slice %arg5[%add3A_179, %dma_wait3A_180] : memref<80x125xi32, #tpu.memory_space<vmem>> -> memref<1x125xi32, #tpu.memory_space<vmem>>
      %dma_wait3A_182 = tpu.memref_squeeze %dma_wait3A_181 : memref<1x125xi32, #tpu.memory_space<vmem>> -> memref<125xi32, #tpu.memory_space<vmem>>
      %dma_wait3A_183 = arith.constant 0 : i32
      %dma_wait3A_184 = arith.constant 0 : i32
      %dma_wait3A_185 = tpu.memref_slice %arg17[%dma_wait3A_183, %dma_wait3A_184] : memref<10112x32xf32, #tpu.memory_space<vmem_shared>> -> memref<10112x32xf32, #tpu.memory_space<vmem_shared>>
      tpu.wait_indirect_dma semaphore(%arg24 : memref<!tpu.dma_semaphore, #tpu.memory_space<semaphore_mem>>) src(%dma_wait3A_185 : memref<10112x32xf32, #tpu.memory_space<vmem_shared>>) dst(%arg13 : memref<125x32xf32, #tpu.memory_space<vmem>>)
      %add3A_186 = arith.constant 6 : i32
      %add3A_187 = arith.addi %mul3A_82, %add3A_186 : i32
      %dma_start3A_188 = arith.constant 0 : i32
      %dma_start3A_189 = tpu.memref_slice %arg6[%add3A_187, %dma_start3A_188] : memref<80x125xi32, #tpu.memory_space<vmem>> -> memref<1x125xi32, #tpu.memory_space<vmem>>
      %dma_start3A_190 = tpu.memref_squeeze %dma_start3A_189 : memref<1x125xi32, #tpu.memory_space<vmem>> -> memref<125xi32, #tpu.memory_space<vmem>>
      %dma_start3A_191 = arith.constant 0 : i32
      %dma_start3A_192 = arith.constant 0 : i32
      %dma_start3A_193 = tpu.memref_slice %arg16[%dma_start3A_191, %dma_start3A_192] : memref<10112x32xf32, #tpu.memory_space<vmem_shared>> -> memref<10112x32xf32, #tpu.memory_space<vmem_shared>>
      tpu.enqueue_indirect_dma source(%arg13 : memref<125x32xf32, #tpu.memory_space<vmem>>) target(%dma_start3A_193 : memref<10112x32xf32, #tpu.memory_space<vmem_shared>>) offsets(%dma_start3A_190 : memref<125xi32, #tpu.memory_space<vmem>>) semaphore(%arg32 : memref<!tpu.dma_semaphore, #tpu.memory_space<semaphore_mem>>) {add = true}
      %add3A_194 = arith.constant 7 : i32
      %add3A_195 = arith.addi %mul3A_82, %add3A_194 : i32
      %dma_wait3A_196 = arith.constant 0 : i32
      %dma_wait3A_197 = tpu.memref_slice %arg5[%add3A_195, %dma_wait3A_196] : memref<80x125xi32, #tpu.memory_space<vmem>> -> memref<1x125xi32, #tpu.memory_space<vmem>>
      %dma_wait3A_198 = tpu.memref_squeeze %dma_wait3A_197 : memref<1x125xi32, #tpu.memory_space<vmem>> -> memref<125xi32, #tpu.memory_space<vmem>>
      %dma_wait3A_199 = arith.constant 0 : i32
      %dma_wait3A_200 = arith.constant 0 : i32
      %dma_wait3A_201 = tpu.memref_slice %arg17[%dma_wait3A_199, %dma_wait3A_200] : memref<10112x32xf32, #tpu.memory_space<vmem_shared>> -> memref<10112x32xf32, #tpu.memory_space<vmem_shared>>
      tpu.wait_indirect_dma semaphore(%arg25 : memref<!tpu.dma_semaphore, #tpu.memory_space<semaphore_mem>>) src(%dma_wait3A_201 : memref<10112x32xf32, #tpu.memory_space<vmem_shared>>) dst(%arg14 : memref<125x32xf32, #tpu.memory_space<vmem>>)
      %add3A_202 = arith.constant 7 : i32
      %add3A_203 = arith.addi %mul3A_82, %add3A_202 : i32
      %dma_start3A_204 = arith.constant 0 : i32
      %dma_start3A_205 = tpu.memref_slice %arg6[%add3A_203, %dma_start3A_204] : memref<80x125xi32, #tpu.memory_space<vmem>> -> memref<1x125xi32, #tpu.memory_space<vmem>>
      %dma_start3A_206 = tpu.memref_squeeze %dma_start3A_205 : memref<1x125xi32, #tpu.memory_space<vmem>> -> memref<125xi32, #tpu.memory_space<vmem>>
      %dma_start3A_207 = arith.constant 0 : i32
      %dma_start3A_208 = arith.constant 0 : i32
      %dma_start3A_209 = tpu.memref_slice %arg16[%dma_start3A_207, %dma_start3A_208] : memref<10112x32xf32, #tpu.memory_space<vmem_shared>> -> memref<10112x32xf32, #tpu.memory_space<vmem_shared>>
      tpu.enqueue_indirect_dma source(%arg14 : memref<125x32xf32, #tpu.memory_space<vmem>>) target(%dma_start3A_209 : memref<10112x32xf32, #tpu.memory_space<vmem_shared>>) offsets(%dma_start3A_206 : memref<125xi32, #tpu.memory_space<vmem>>) semaphore(%arg33 : memref<!tpu.dma_semaphore, #tpu.memory_space<semaphore_mem>>) {add = true}
      %dma_wait3A_210 = arith.constant 0 : i32
      %dma_wait3A_211 = tpu.memref_slice %arg6[%add3A_91, %dma_wait3A_210] : memref<80x125xi32, #tpu.memory_space<vmem>> -> memref<1x125xi32, #tpu.memory_space<vmem>>
      %dma_wait3A_212 = tpu.memref_squeeze %dma_wait3A_211 : memref<1x125xi32, #tpu.memory_space<vmem>> -> memref<125xi32, #tpu.memory_space<vmem>>
      %dma_wait3A_213 = arith.constant 0 : i32
      %dma_wait3A_214 = arith.constant 0 : i32
      %dma_wait3A_215 = tpu.memref_slice %arg16[%dma_wait3A_213, %dma_wait3A_214] : memref<10112x32xf32, #tpu.memory_space<vmem_shared>> -> memref<10112x32xf32, #tpu.memory_space<vmem_shared>>
      tpu.wait_indirect_dma semaphore(%arg26 : memref<!tpu.dma_semaphore, #tpu.memory_space<semaphore_mem>>) src(%arg7 : memref<125x32xf32, #tpu.memory_space<vmem>>) dst(%dma_wait3A_215 : memref<10112x32xf32, #tpu.memory_space<vmem_shared>>)
      %lt3A = arith.constant 9 : i32
      %lt3A_216 = arith.cmpi slt, %scan3A_80, %lt3A : i32
      %convert_element_type3A = arith.extui %lt3A_216 : i1 to i32
      %cond3A = arith.constant 0 : i32
      %cond3A_217 = arith.cmpi ne, %convert_element_type3A, %cond3A : i32
      scf.if %cond3A_217 {
        %add3A_295 = arith.constant 0 : i32
        %add3A_296 = arith.addi %mul3A_82, %add3A_295 : i32
        %add3A_297 = arith.constant 8 : i32
        %add3A_298 = arith.addi %add3A_296, %add3A_297 : i32
        %dma_start3A_299 = arith.constant 0 : i32
        %dma_start3A_300 = tpu.memref_slice %arg5[%add3A_298, %dma_start3A_299] : memref<80x125xi32, #tpu.memory_space<vmem>> -> memref<1x125xi32, #tpu.memory_space<vmem>>
        %dma_start3A_301 = tpu.memref_squeeze %dma_start3A_300 : memref<1x125xi32, #tpu.memory_space<vmem>> -> memref<125xi32, #tpu.memory_space<vmem>>
        %dma_start3A_302 = arith.constant 0 : i32
        %dma_start3A_303 = arith.constant 0 : i32
        %dma_start3A_304 = tpu.memref_slice %arg17[%dma_start3A_302, %dma_start3A_303] : memref<10112x32xf32, #tpu.memory_space<vmem_shared>> -> memref<10112x32xf32, #tpu.memory_space<vmem_shared>>
        tpu.enqueue_indirect_dma source(%dma_start3A_304 : memref<10112x32xf32, #tpu.memory_space<vmem_shared>>) target(%arg7 : memref<125x32xf32, #tpu.memory_space<vmem>>) offsets(%dma_start3A_301 : memref<125xi32, #tpu.memory_space<vmem>>) semaphore(%arg18 : memref<!tpu.dma_semaphore, #tpu.memory_space<semaphore_mem>>)
      } else {
      }
      %dma_wait3A_218 = arith.constant 0 : i32
      %dma_wait3A_219 = tpu.memref_slice %arg6[%add3A_107, %dma_wait3A_218] : memref<80x125xi32, #tpu.memory_space<vmem>> -> memref<1x125xi32, #tpu.memory_space<vmem>>
      %dma_wait3A_220 = tpu.memref_squeeze %dma_wait3A_219 : memref<1x125xi32, #tpu.memory_space<vmem>> -> memref<125xi32, #tpu.memory_space<vmem>>
      %dma_wait3A_221 = arith.constant 0 : i32
      %dma_wait3A_222 = arith.constant 0 : i32
      %dma_wait3A_223 = tpu.memref_slice %arg16[%dma_wait3A_221, %dma_wait3A_222] : memref<10112x32xf32, #tpu.memory_space<vmem_shared>> -> memref<10112x32xf32, #tpu.memory_space<vmem_shared>>
      tpu.wait_indirect_dma semaphore(%arg27 : memref<!tpu.dma_semaphore, #tpu.memory_space<semaphore_mem>>) src(%arg8 : memref<125x32xf32, #tpu.memory_space<vmem>>) dst(%dma_wait3A_223 : memref<10112x32xf32, #tpu.memory_space<vmem_shared>>)
      %lt3A_224 = arith.constant 9 : i32
      %lt3A_225 = arith.cmpi slt, %scan3A_80, %lt3A_224 : i32
      %convert_element_type3A_226 = arith.extui %lt3A_225 : i1 to i32
      %cond3A_227 = arith.constant 0 : i32
      %cond3A_228 = arith.cmpi ne, %convert_element_type3A_226, %cond3A_227 : i32
      scf.if %cond3A_228 {
        %add3A_295 = arith.constant 1 : i32
        %add3A_296 = arith.addi %mul3A_82, %add3A_295 : i32
        %add3A_297 = arith.constant 8 : i32
        %add3A_298 = arith.addi %add3A_296, %add3A_297 : i32
        %dma_start3A_299 = arith.constant 0 : i32
        %dma_start3A_300 = tpu.memref_slice %arg5[%add3A_298, %dma_start3A_299] : memref<80x125xi32, #tpu.memory_space<vmem>> -> memref<1x125xi32, #tpu.memory_space<vmem>>
        %dma_start3A_301 = tpu.memref_squeeze %dma_start3A_300 : memref<1x125xi32, #tpu.memory_space<vmem>> -> memref<125xi32, #tpu.memory_space<vmem>>
        %dma_start3A_302 = arith.constant 0 : i32
        %dma_start3A_303 = arith.constant 0 : i32
        %dma_start3A_304 = tpu.memref_slice %arg17[%dma_start3A_302, %dma_start3A_303] : memref<10112x32xf32, #tpu.memory_space<vmem_shared>> -> memref<10112x32xf32, #tpu.memory_space<vmem_shared>>
        tpu.enqueue_indirect_dma source(%dma_start3A_304 : memref<10112x32xf32, #tpu.memory_space<vmem_shared>>) target(%arg8 : memref<125x32xf32, #tpu.memory_space<vmem>>) offsets(%dma_start3A_301 : memref<125xi32, #tpu.memory_space<vmem>>) semaphore(%arg19 : memref<!tpu.dma_semaphore, #tpu.memory_space<semaphore_mem>>)
      } else {
      }
      %dma_wait3A_229 = arith.constant 0 : i32
      %dma_wait3A_230 = tpu.memref_slice %arg6[%add3A_123, %dma_wait3A_229] : memref<80x125xi32, #tpu.memory_space<vmem>> -> memref<1x125xi32, #tpu.memory_space<vmem>>
      %dma_wait3A_231 = tpu.memref_squeeze %dma_wait3A_230 : memref<1x125xi32, #tpu.memory_space<vmem>> -> memref<125xi32, #tpu.memory_space<vmem>>
      %dma_wait3A_232 = arith.constant 0 : i32
      %dma_wait3A_233 = arith.constant 0 : i32
      %dma_wait3A_234 = tpu.memref_slice %arg16[%dma_wait3A_232, %dma_wait3A_233] : memref<10112x32xf32, #tpu.memory_space<vmem_shared>> -> memref<10112x32xf32, #tpu.memory_space<vmem_shared>>
      tpu.wait_indirect_dma semaphore(%arg28 : memref<!tpu.dma_semaphore, #tpu.memory_space<semaphore_mem>>) src(%arg9 : memref<125x32xf32, #tpu.memory_space<vmem>>) dst(%dma_wait3A_234 : memref<10112x32xf32, #tpu.memory_space<vmem_shared>>)
      %lt3A_235 = arith.constant 9 : i32
      %lt3A_236 = arith.cmpi slt, %scan3A_80, %lt3A_235 : i32
      %convert_element_type3A_237 = arith.extui %lt3A_236 : i1 to i32
      %cond3A_238 = arith.constant 0 : i32
      %cond3A_239 = arith.cmpi ne, %convert_element_type3A_237, %cond3A_238 : i32
      scf.if %cond3A_239 {
        %add3A_295 = arith.constant 2 : i32
        %add3A_296 = arith.addi %mul3A_82, %add3A_295 : i32
        %add3A_297 = arith.constant 8 : i32
        %add3A_298 = arith.addi %add3A_296, %add3A_297 : i32
        %dma_start3A_299 = arith.constant 0 : i32
        %dma_start3A_300 = tpu.memref_slice %arg5[%add3A_298, %dma_start3A_299] : memref<80x125xi32, #tpu.memory_space<vmem>> -> memref<1x125xi32, #tpu.memory_space<vmem>>
        %dma_start3A_301 = tpu.memref_squeeze %dma_start3A_300 : memref<1x125xi32, #tpu.memory_space<vmem>> -> memref<125xi32, #tpu.memory_space<vmem>>
        %dma_start3A_302 = arith.constant 0 : i32
        %dma_start3A_303 = arith.constant 0 : i32
        %dma_start3A_304 = tpu.memref_slice %arg17[%dma_start3A_302, %dma_start3A_303] : memref<10112x32xf32, #tpu.memory_space<vmem_shared>> -> memref<10112x32xf32, #tpu.memory_space<vmem_shared>>
        tpu.enqueue_indirect_dma source(%dma_start3A_304 : memref<10112x32xf32, #tpu.memory_space<vmem_shared>>) target(%arg9 : memref<125x32xf32, #tpu.memory_space<vmem>>) offsets(%dma_start3A_301 : memref<125xi32, #tpu.memory_space<vmem>>) semaphore(%arg20 : memref<!tpu.dma_semaphore, #tpu.memory_space<semaphore_mem>>)
      } else {
      }
      %dma_wait3A_240 = arith.constant 0 : i32
      %dma_wait3A_241 = tpu.memref_slice %arg6[%add3A_139, %dma_wait3A_240] : memref<80x125xi32, #tpu.memory_space<vmem>> -> memref<1x125xi32, #tpu.memory_space<vmem>>
      %dma_wait3A_242 = tpu.memref_squeeze %dma_wait3A_241 : memref<1x125xi32, #tpu.memory_space<vmem>> -> memref<125xi32, #tpu.memory_space<vmem>>
      %dma_wait3A_243 = arith.constant 0 : i32
      %dma_wait3A_244 = arith.constant 0 : i32
      %dma_wait3A_245 = tpu.memref_slice %arg16[%dma_wait3A_243, %dma_wait3A_244] : memref<10112x32xf32, #tpu.memory_space<vmem_shared>> -> memref<10112x32xf32, #tpu.memory_space<vmem_shared>>
      tpu.wait_indirect_dma semaphore(%arg29 : memref<!tpu.dma_semaphore, #tpu.memory_space<semaphore_mem>>) src(%arg10 : memref<125x32xf32, #tpu.memory_space<vmem>>) dst(%dma_wait3A_245 : memref<10112x32xf32, #tpu.memory_space<vmem_shared>>)
      %lt3A_246 = arith.constant 9 : i32
      %lt3A_247 = arith.cmpi slt, %scan3A_80, %lt3A_246 : i32
      %convert_element_type3A_248 = arith.extui %lt3A_247 : i1 to i32
      %cond3A_249 = arith.constant 0 : i32
      %cond3A_250 = arith.cmpi ne, %convert_element_type3A_248, %cond3A_249 : i32
      scf.if %cond3A_250 {
        %add3A_295 = arith.constant 3 : i32
        %add3A_296 = arith.addi %mul3A_82, %add3A_295 : i32
        %add3A_297 = arith.constant 8 : i32
        %add3A_298 = arith.addi %add3A_296, %add3A_297 : i32
        %dma_start3A_299 = arith.constant 0 : i32
        %dma_start3A_300 = tpu.memref_slice %arg5[%add3A_298, %dma_start3A_299] : memref<80x125xi32, #tpu.memory_space<vmem>> -> memref<1x125xi32, #tpu.memory_space<vmem>>
        %dma_start3A_301 = tpu.memref_squeeze %dma_start3A_300 : memref<1x125xi32, #tpu.memory_space<vmem>> -> memref<125xi32, #tpu.memory_space<vmem>>
        %dma_start3A_302 = arith.constant 0 : i32
        %dma_start3A_303 = arith.constant 0 : i32
        %dma_start3A_304 = tpu.memref_slice %arg17[%dma_start3A_302, %dma_start3A_303] : memref<10112x32xf32, #tpu.memory_space<vmem_shared>> -> memref<10112x32xf32, #tpu.memory_space<vmem_shared>>
        tpu.enqueue_indirect_dma source(%dma_start3A_304 : memref<10112x32xf32, #tpu.memory_space<vmem_shared>>) target(%arg10 : memref<125x32xf32, #tpu.memory_space<vmem>>) offsets(%dma_start3A_301 : memref<125xi32, #tpu.memory_space<vmem>>) semaphore(%arg21 : memref<!tpu.dma_semaphore, #tpu.memory_space<semaphore_mem>>)
      } else {
      }
      %dma_wait3A_251 = arith.constant 0 : i32
      %dma_wait3A_252 = tpu.memref_slice %arg6[%add3A_155, %dma_wait3A_251] : memref<80x125xi32, #tpu.memory_space<vmem>> -> memref<1x125xi32, #tpu.memory_space<vmem>>
      %dma_wait3A_253 = tpu.memref_squeeze %dma_wait3A_252 : memref<1x125xi32, #tpu.memory_space<vmem>> -> memref<125xi32, #tpu.memory_space<vmem>>
      %dma_wait3A_254 = arith.constant 0 : i32
      %dma_wait3A_255 = arith.constant 0 : i32
      %dma_wait3A_256 = tpu.memref_slice %arg16[%dma_wait3A_254, %dma_wait3A_255] : memref<10112x32xf32, #tpu.memory_space<vmem_shared>> -> memref<10112x32xf32, #tpu.memory_space<vmem_shared>>
      tpu.wait_indirect_dma semaphore(%arg30 : memref<!tpu.dma_semaphore, #tpu.memory_space<semaphore_mem>>) src(%arg11 : memref<125x32xf32, #tpu.memory_space<vmem>>) dst(%dma_wait3A_256 : memref<10112x32xf32, #tpu.memory_space<vmem_shared>>)
      %lt3A_257 = arith.constant 9 : i32
      %lt3A_258 = arith.cmpi slt, %scan3A_80, %lt3A_257 : i32
      %convert_element_type3A_259 = arith.extui %lt3A_258 : i1 to i32
      %cond3A_260 = arith.constant 0 : i32
      %cond3A_261 = arith.cmpi ne, %convert_element_type3A_259, %cond3A_260 : i32
      scf.if %cond3A_261 {
        %add3A_295 = arith.constant 4 : i32
        %add3A_296 = arith.addi %mul3A_82, %add3A_295 : i32
        %add3A_297 = arith.constant 8 : i32
        %add3A_298 = arith.addi %add3A_296, %add3A_297 : i32
        %dma_start3A_299 = arith.constant 0 : i32
        %dma_start3A_300 = tpu.memref_slice %arg5[%add3A_298, %dma_start3A_299] : memref<80x125xi32, #tpu.memory_space<vmem>> -> memref<1x125xi32, #tpu.memory_space<vmem>>
        %dma_start3A_301 = tpu.memref_squeeze %dma_start3A_300 : memref<1x125xi32, #tpu.memory_space<vmem>> -> memref<125xi32, #tpu.memory_space<vmem>>
        %dma_start3A_302 = arith.constant 0 : i32
        %dma_start3A_303 = arith.constant 0 : i32
        %dma_start3A_304 = tpu.memref_slice %arg17[%dma_start3A_302, %dma_start3A_303] : memref<10112x32xf32, #tpu.memory_space<vmem_shared>> -> memref<10112x32xf32, #tpu.memory_space<vmem_shared>>
        tpu.enqueue_indirect_dma source(%dma_start3A_304 : memref<10112x32xf32, #tpu.memory_space<vmem_shared>>) target(%arg11 : memref<125x32xf32, #tpu.memory_space<vmem>>) offsets(%dma_start3A_301 : memref<125xi32, #tpu.memory_space<vmem>>) semaphore(%arg22 : memref<!tpu.dma_semaphore, #tpu.memory_space<semaphore_mem>>)
      } else {
      }
      %dma_wait3A_262 = arith.constant 0 : i32
      %dma_wait3A_263 = tpu.memref_slice %arg6[%add3A_171, %dma_wait3A_262] : memref<80x125xi32, #tpu.memory_space<vmem>> -> memref<1x125xi32, #tpu.memory_space<vmem>>
      %dma_wait3A_264 = tpu.memref_squeeze %dma_wait3A_263 : memref<1x125xi32, #tpu.memory_space<vmem>> -> memref<125xi32, #tpu.memory_space<vmem>>
      %dma_wait3A_265 = arith.constant 0 : i32
      %dma_wait3A_266 = arith.constant 0 : i32
      %dma_wait3A_267 = tpu.memref_slice %arg16[%dma_wait3A_265, %dma_wait3A_266] : memref<10112x32xf32, #tpu.memory_space<vmem_shared>> -> memref<10112x32xf32, #tpu.memory_space<vmem_shared>>
      tpu.wait_indirect_dma semaphore(%arg31 : memref<!tpu.dma_semaphore, #tpu.memory_space<semaphore_mem>>) src(%arg12 : memref<125x32xf32, #tpu.memory_space<vmem>>) dst(%dma_wait3A_267 : memref<10112x32xf32, #tpu.memory_space<vmem_shared>>)
      %lt3A_268 = arith.constant 9 : i32
      %lt3A_269 = arith.cmpi slt, %scan3A_80, %lt3A_268 : i32
      %convert_element_type3A_270 = arith.extui %lt3A_269 : i1 to i32
      %cond3A_271 = arith.constant 0 : i32
      %cond3A_272 = arith.cmpi ne, %convert_element_type3A_270, %cond3A_271 : i32
      scf.if %cond3A_272 {
        %add3A_295 = arith.constant 5 : i32
        %add3A_296 = arith.addi %mul3A_82, %add3A_295 : i32
        %add3A_297 = arith.constant 8 : i32
        %add3A_298 = arith.addi %add3A_296, %add3A_297 : i32
        %dma_start3A_299 = arith.constant 0 : i32
        %dma_start3A_300 = tpu.memref_slice %arg5[%add3A_298, %dma_start3A_299] : memref<80x125xi32, #tpu.memory_space<vmem>> -> memref<1x125xi32, #tpu.memory_space<vmem>>
        %dma_start3A_301 = tpu.memref_squeeze %dma_start3A_300 : memref<1x125xi32, #tpu.memory_space<vmem>> -> memref<125xi32, #tpu.memory_space<vmem>>
        %dma_start3A_302 = arith.constant 0 : i32
        %dma_start3A_303 = arith.constant 0 : i32
        %dma_start3A_304 = tpu.memref_slice %arg17[%dma_start3A_302, %dma_start3A_303] : memref<10112x32xf32, #tpu.memory_space<vmem_shared>> -> memref<10112x32xf32, #tpu.memory_space<vmem_shared>>
        tpu.enqueue_indirect_dma source(%dma_start3A_304 : memref<10112x32xf32, #tpu.memory_space<vmem_shared>>) target(%arg12 : memref<125x32xf32, #tpu.memory_space<vmem>>) offsets(%dma_start3A_301 : memref<125xi32, #tpu.memory_space<vmem>>) semaphore(%arg23 : memref<!tpu.dma_semaphore, #tpu.memory_space<semaphore_mem>>)
      } else {
      }
      %dma_wait3A_273 = arith.constant 0 : i32
      %dma_wait3A_274 = tpu.memref_slice %arg6[%add3A_187, %dma_wait3A_273] : memref<80x125xi32, #tpu.memory_space<vmem>> -> memref<1x125xi32, #tpu.memory_space<vmem>>
      %dma_wait3A_275 = tpu.memref_squeeze %dma_wait3A_274 : memref<1x125xi32, #tpu.memory_space<vmem>> -> memref<125xi32, #tpu.memory_space<vmem>>
      %dma_wait3A_276 = arith.constant 0 : i32
      %dma_wait3A_277 = arith.constant 0 : i32
      %dma_wait3A_278 = tpu.memref_slice %arg16[%dma_wait3A_276, %dma_wait3A_277] : memref<10112x32xf32, #tpu.memory_space<vmem_shared>> -> memref<10112x32xf32, #tpu.memory_space<vmem_shared>>
      tpu.wait_indirect_dma semaphore(%arg32 : memref<!tpu.dma_semaphore, #tpu.memory_space<semaphore_mem>>) src(%arg13 : memref<125x32xf32, #tpu.memory_space<vmem>>) dst(%dma_wait3A_278 : memref<10112x32xf32, #tpu.memory_space<vmem_shared>>)
      %lt3A_279 = arith.constant 9 : i32
      %lt3A_280 = arith.cmpi slt, %scan3A_80, %lt3A_279 : i32
      %convert_element_type3A_281 = arith.extui %lt3A_280 : i1 to i32
      %cond3A_282 = arith.constant 0 : i32
      %cond3A_283 = arith.cmpi ne, %convert_element_type3A_281, %cond3A_282 : i32
      scf.if %cond3A_283 {
        %add3A_295 = arith.constant 6 : i32
        %add3A_296 = arith.addi %mul3A_82, %add3A_295 : i32
        %add3A_297 = arith.constant 8 : i32
        %add3A_298 = arith.addi %add3A_296, %add3A_297 : i32
        %dma_start3A_299 = arith.constant 0 : i32
        %dma_start3A_300 = tpu.memref_slice %arg5[%add3A_298, %dma_start3A_299] : memref<80x125xi32, #tpu.memory_space<vmem>> -> memref<1x125xi32, #tpu.memory_space<vmem>>
        %dma_start3A_301 = tpu.memref_squeeze %dma_start3A_300 : memref<1x125xi32, #tpu.memory_space<vmem>> -> memref<125xi32, #tpu.memory_space<vmem>>
        %dma_start3A_302 = arith.constant 0 : i32
        %dma_start3A_303 = arith.constant 0 : i32
        %dma_start3A_304 = tpu.memref_slice %arg17[%dma_start3A_302, %dma_start3A_303] : memref<10112x32xf32, #tpu.memory_space<vmem_shared>> -> memref<10112x32xf32, #tpu.memory_space<vmem_shared>>
        tpu.enqueue_indirect_dma source(%dma_start3A_304 : memref<10112x32xf32, #tpu.memory_space<vmem_shared>>) target(%arg13 : memref<125x32xf32, #tpu.memory_space<vmem>>) offsets(%dma_start3A_301 : memref<125xi32, #tpu.memory_space<vmem>>) semaphore(%arg24 : memref<!tpu.dma_semaphore, #tpu.memory_space<semaphore_mem>>)
      } else {
      }
      %dma_wait3A_284 = arith.constant 0 : i32
      %dma_wait3A_285 = tpu.memref_slice %arg6[%add3A_203, %dma_wait3A_284] : memref<80x125xi32, #tpu.memory_space<vmem>> -> memref<1x125xi32, #tpu.memory_space<vmem>>
      %dma_wait3A_286 = tpu.memref_squeeze %dma_wait3A_285 : memref<1x125xi32, #tpu.memory_space<vmem>> -> memref<125xi32, #tpu.memory_space<vmem>>
      %dma_wait3A_287 = arith.constant 0 : i32
      %dma_wait3A_288 = arith.constant 0 : i32
      %dma_wait3A_289 = tpu.memref_slice %arg16[%dma_wait3A_287, %dma_wait3A_288] : memref<10112x32xf32, #tpu.memory_space<vmem_shared>> -> memref<10112x32xf32, #tpu.memory_space<vmem_shared>>
      tpu.wait_indirect_dma semaphore(%arg33 : memref<!tpu.dma_semaphore, #tpu.memory_space<semaphore_mem>>) src(%arg14 : memref<125x32xf32, #tpu.memory_space<vmem>>) dst(%dma_wait3A_289 : memref<10112x32xf32, #tpu.memory_space<vmem_shared>>)
      %lt3A_290 = arith.constant 9 : i32
      %lt3A_291 = arith.cmpi slt, %scan3A_80, %lt3A_290 : i32
      %convert_element_type3A_292 = arith.extui %lt3A_291 : i1 to i32
      %cond3A_293 = arith.constant 0 : i32
      %cond3A_294 = arith.cmpi ne, %convert_element_type3A_292, %cond3A_293 : i32
      scf.if %cond3A_294 {
        %add3A_295 = arith.constant 7 : i32
        %add3A_296 = arith.addi %mul3A_82, %add3A_295 : i32
        %add3A_297 = arith.constant 8 : i32
        %add3A_298 = arith.addi %add3A_296, %add3A_297 : i32
        %dma_start3A_299 = arith.constant 0 : i32
        %dma_start3A_300 = tpu.memref_slice %arg5[%add3A_298, %dma_start3A_299] : memref<80x125xi32, #tpu.memory_space<vmem>> -> memref<1x125xi32, #tpu.memory_space<vmem>>
        %dma_start3A_301 = tpu.memref_squeeze %dma_start3A_300 : memref<1x125xi32, #tpu.memory_space<vmem>> -> memref<125xi32, #tpu.memory_space<vmem>>
        %dma_start3A_302 = arith.constant 0 : i32
        %dma_start3A_303 = arith.constant 0 : i32
        %dma_start3A_304 = tpu.memref_slice %arg17[%dma_start3A_302, %dma_start3A_303] : memref<10112x32xf32, #tpu.memory_space<vmem_shared>> -> memref<10112x32xf32, #tpu.memory_space<vmem_shared>>
        tpu.enqueue_indirect_dma source(%dma_start3A_304 : memref<10112x32xf32, #tpu.memory_space<vmem_shared>>) target(%arg14 : memref<125x32xf32, #tpu.memory_space<vmem>>) offsets(%dma_start3A_301 : memref<125xi32, #tpu.memory_space<vmem>>) semaphore(%arg25 : memref<!tpu.dma_semaphore, #tpu.memory_space<semaphore_mem>>)
      } else {
      }
    }
    %scan3A_74 = arith.constant 10 : i32
    %barrier3A_75 = arith.constant 0 : index
    tpu.barrier barrier_id(%barrier3A_75)
    %mul3A_76 = arith.constant 632 : i32
    %mul3A_77 = arith.muli %arg1, %mul3A_76 : i32
    %mul3A_78 = arith.constant 632 : i32
    %mul3A_79 = arith.muli %arg1, %mul3A_78 : i32
    "tpu.region"() ({
      %run_scoped3A_80 = tpu.sem_alloc : memref<!tpu.dma_semaphore, #tpu.memory_space<semaphore_mem>>
      %dma_start3A_81 = arith.constant 0 : i32
      %dma_start3A_82 = tpu.memref_slice %arg4[%arg0, %mul3A_79, %dma_start3A_81] : memref<2x10112x32xf32, #tpu.memory_space<hbm>> -> memref<1x632x32xf32, #tpu.memory_space<hbm>>
      %dma_start3A_83 = tpu.memref_squeeze %dma_start3A_82 : memref<1x632x32xf32, #tpu.memory_space<hbm>> -> memref<632x32xf32, #tpu.memory_space<hbm>>
      %dma_start3A_84 = arith.constant 0 : i32
      %dma_start3A_85 = tpu.memref_slice %arg16[%mul3A_77, %dma_start3A_84] : memref<10112x32xf32, #tpu.memory_space<vmem_shared>> -> memref<632x32xf32, #tpu.memory_space<vmem_shared>>
      tpu.enqueue_dma source(%dma_start3A_85 : memref<632x32xf32, #tpu.memory_space<vmem_shared>>) target(%dma_start3A_83 : memref<632x32xf32, #tpu.memory_space<hbm>>) target_semaphore(%run_scoped3A_80 : memref<!tpu.dma_semaphore, #tpu.memory_space<semaphore_mem>>)
      %dma_wait3A = arith.constant 0 : i32
      %dma_wait3A_86 = tpu.memref_slice %arg4[%arg0, %mul3A_79, %dma_wait3A] : memref<2x10112x32xf32, #tpu.memory_space<hbm>> -> memref<1x632x32xf32, #tpu.memory_space<hbm>>
      %dma_wait3A_87 = tpu.memref_squeeze %dma_wait3A_86 : memref<1x632x32xf32, #tpu.memory_space<hbm>> -> memref<632x32xf32, #tpu.memory_space<hbm>>
      %dma_wait3A_88 = arith.constant 0 : i32
      %dma_wait3A_89 = tpu.memref_slice %arg16[%mul3A_77, %dma_wait3A_88] : memref<10112x32xf32, #tpu.memory_space<vmem_shared>> -> memref<632x32xf32, #tpu.memory_space<vmem_shared>>
      tpu.wait_dma2 semaphore(%run_scoped3A_80 : memref<!tpu.dma_semaphore, #tpu.memory_space<semaphore_mem>>) src(%dma_wait3A_89 : memref<632x32xf32, #tpu.memory_space<vmem_shared>>) dst(%dma_wait3A_87 : memref<632x32xf32, #tpu.memory_space<hbm>>)
      tpu.yield
    }) : () -> ()
    return
  }
}

#map = affine_map<(d0, d1) -> (0, 0, 0, 0)>
#map1 = affine_map<(d0, d1) -> (0, 0, 0)>
module attributes {stable_mosaic.version = 14 : i64} {
  func.func @k(%arg0: i32, %arg1: i32, %arg2: memref<2x32x80x125xi32, #tpu.memory_space<hbm>>, %arg3: memref<2x10112x16xf32, #tpu.memory_space<hbm>>, %arg4: memref<80x125xi32, #tpu.memory_space<vmem>>, %arg5: memref<125x16xf32, #tpu.memory_space<vmem>>, %arg6: memref<632x16xf32, #tpu.memory_space<vmem>>, %arg7: memref<10112x16xf32, #tpu.memory_space<vmem_shared>>, %arg8: memref<!tpu.dma_semaphore, #tpu.memory_space<semaphore_mem>>) attributes {dimension_semantics = [#tpu.dimension_semantics<core_parallel>, #tpu.dimension_semantics<subcore_parallel>], iteration_bounds = array<i64: 2, 16>, scalar_prefetch = 0 : i64, scratch_operands = 5 : i64, tpu.core_type = #tpu.core_type<sc_vector_subcore>, window_params = [{transform_indices = #map}, {transform_indices = #map1}]} {
    %mul3A = arith.constant 2 : i32
    %mul3A_0 = arith.muli %arg1, %mul3A : i32
    %add3A = arith.addi %mul3A_0, %arg0 : i32
    %run_scoped3A = arith.constant 1 : i32
    "tpu.region"() ({
      %run_scoped3A_34 = tpu.sem_alloc : memref<!tpu.dma_semaphore, #tpu.memory_space<semaphore_mem>>
      %dma_start3A = arith.constant 0 : i32
      %dma_start3A_35 = arith.constant 0 : i32
      %dma_start3A_36 = tpu.memref_slice %arg2[%run_scoped3A, %add3A, %dma_start3A, %dma_start3A_35] : memref<2x32x80x125xi32, #tpu.memory_space<hbm>> -> memref<1x1x80x125xi32, #tpu.memory_space<hbm>>
      %dma_start3A_37 = tpu.memref_squeeze %dma_start3A_36 : memref<1x1x80x125xi32, #tpu.memory_space<hbm>> -> memref<80x125xi32, #tpu.memory_space<hbm>>
      %dma_start3A_38 = arith.constant 0 : i32
      %dma_start3A_39 = arith.constant 0 : i32
      %dma_start3A_40 = tpu.memref_slice %arg2[%run_scoped3A, %add3A, %dma_start3A_38, %dma_start3A_39] : memref<2x32x80x125xi32, #tpu.memory_space<hbm>> -> memref<1x1x80x125xi32, #tpu.memory_space<hbm>>
      %dma_start3A_41 = tpu.memref_squeeze %dma_start3A_40 : memref<1x1x80x125xi32, #tpu.memory_space<hbm>> -> memref<80x125xi32, #tpu.memory_space<hbm>>
      tpu.enqueue_dma source(%dma_start3A_41 : memref<80x125xi32, #tpu.memory_space<hbm>>) target(%arg4 : memref<80x125xi32, #tpu.memory_space<vmem>>) target_semaphore(%run_scoped3A_34 : memref<!tpu.dma_semaphore, #tpu.memory_space<semaphore_mem>>)
      %dma_wait3A = arith.constant 0 : i32
      %dma_wait3A_42 = arith.constant 0 : i32
      %dma_wait3A_43 = tpu.memref_slice %arg2[%run_scoped3A, %add3A, %dma_wait3A, %dma_wait3A_42] : memref<2x32x80x125xi32, #tpu.memory_space<hbm>> -> memref<1x1x80x125xi32, #tpu.memory_space<hbm>>
      %dma_wait3A_44 = tpu.memref_squeeze %dma_wait3A_43 : memref<1x1x80x125xi32, #tpu.memory_space<hbm>> -> memref<80x125xi32, #tpu.memory_space<hbm>>
      %dma_wait3A_45 = arith.constant 0 : i32
      %dma_wait3A_46 = arith.constant 0 : i32
      %dma_wait3A_47 = tpu.memref_slice %arg2[%run_scoped3A, %add3A, %dma_wait3A_45, %dma_wait3A_46] : memref<2x32x80x125xi32, #tpu.memory_space<hbm>> -> memref<1x1x80x125xi32, #tpu.memory_space<hbm>>
      %dma_wait3A_48 = tpu.memref_squeeze %dma_wait3A_47 : memref<1x1x80x125xi32, #tpu.memory_space<hbm>> -> memref<80x125xi32, #tpu.memory_space<hbm>>
      tpu.wait_dma2 semaphore(%run_scoped3A_34 : memref<!tpu.dma_semaphore, #tpu.memory_space<semaphore_mem>>) src(%dma_wait3A_48 : memref<80x125xi32, #tpu.memory_space<hbm>>) dst(%arg4 : memref<80x125xi32, #tpu.memory_space<vmem>>)
      tpu.yield
    }) : () -> ()
    %broadcast_in_dim3A = arith.constant 0.000000e+00 : f32
    %broadcast_in_dim3A_1 = vector.broadcast %broadcast_in_dim3A : f32 to vector<16xf32>
    %broadcast_in_dim3A_2 = arith.constant 1.000000e+00 : f32
    %broadcast_in_dim3A_3 = vector.broadcast %broadcast_in_dim3A_2 : f32 to vector<16xf32>
    %scan3A = arith.constant 0 : i32
    %scan3A_4 = arith.constant 0 : i32
    %scan3A_5 = arith.constant 125 : i32
    %scan3A_6 = arith.addi %scan3A_4, %scan3A_5 : i32
    %scan3A_7 = arith.constant 1 : i32
    scf.for %scan3A_34 = %scan3A_4 to %scan3A_6 step %scan3A_7  : i32 {
      %swap3A = arith.index_cast %scan3A_34 : i32 to index
      %swap3A_35 = arith.constant 0 : index
      %swap3A_36 = tpu.vector_load %arg5[%swap3A, %swap3A_35] {strides = array<i32>} : memref<125x16xf32, #tpu.memory_space<vmem>>, vector<1x16xf32>,
      %swap3A_37 = vector.shape_cast %swap3A_36 : vector<1x16xf32> to vector<16xf32>
      %swap3A_38 = vector.shape_cast %broadcast_in_dim3A_3 : vector<16xf32> to vector<1x16xf32>
      tpu.vector_store %arg5[%swap3A, %swap3A_35], %swap3A_38 {strides = array<i32>} : memref<125x16xf32, #tpu.memory_space<vmem>>, vector<1x16xf32>,
    }
    %scan3A_8 = arith.constant 125 : i32
    %scan3A_9 = arith.constant 0 : i32
    %scan3A_10 = arith.constant 0 : i32
    %scan3A_11 = arith.constant 632 : i32
    %scan3A_12 = arith.addi %scan3A_10, %scan3A_11 : i32
    %scan3A_13 = arith.constant 1 : i32
    scf.for %scan3A_34 = %scan3A_10 to %scan3A_12 step %scan3A_13  : i32 {
      %swap3A = arith.index_cast %scan3A_34 : i32 to index
      %swap3A_35 = arith.constant 0 : index
      %swap3A_36 = tpu.vector_load %arg6[%swap3A, %swap3A_35] {strides = array<i32>} : memref<632x16xf32, #tpu.memory_space<vmem>>, vector<1x16xf32>,
      %swap3A_37 = vector.shape_cast %swap3A_36 : vector<1x16xf32> to vector<16xf32>
      %swap3A_38 = vector.shape_cast %broadcast_in_dim3A_1 : vector<16xf32> to vector<1x16xf32>
      tpu.vector_store %arg6[%swap3A, %swap3A_35], %swap3A_38 {strides = array<i32>} : memref<632x16xf32, #tpu.memory_space<vmem>>, vector<1x16xf32>,
    }
    %scan3A_14 = arith.constant 632 : i32
    %mul3A_15 = arith.constant 632 : i32
    %mul3A_16 = arith.muli %arg1, %mul3A_15 : i32
    "tpu.region"() ({
      %run_scoped3A_34 = tpu.sem_alloc : memref<!tpu.dma_semaphore, #tpu.memory_space<semaphore_mem>>
      %dma_start3A = arith.constant 0 : i32
      %dma_start3A_35 = tpu.memref_slice %arg7[%mul3A_16, %dma_start3A] : memref<10112x16xf32, #tpu.memory_space<vmem_shared>> -> memref<632x16xf32, #tpu.memory_space<vmem_shared>>
      %dma_start3A_36 = arith.constant 0 : i32
      %dma_start3A_37 = tpu.memref_slice %arg7[%mul3A_16, %dma_start3A_36] : memref<10112x16xf32, #tpu.memory_space<vmem_shared>> -> memref<632x16xf32, #tpu.memory_space<vmem_shared>>
      tpu.enqueue_dma source(%arg6 : memref<632x16xf32, #tpu.memory_space<vmem>>) target(%dma_start3A_37 : memref<632x16xf32, #tpu.memory_space<vmem_shared>>) target_semaphore(%run_scoped3A_34 : memref<!tpu.dma_semaphore, #tpu.memory_space<semaphore_mem>>)
      %dma_wait3A = arith.constant 0 : i32
      %dma_wait3A_38 = tpu.memref_slice %arg7[%mul3A_16, %dma_wait3A] : memref<10112x16xf32, #tpu.memory_space<vmem_shared>> -> memref<632x16xf32, #tpu.memory_space<vmem_shared>>
      %dma_wait3A_39 = arith.constant 0 : i32
      %dma_wait3A_40 = tpu.memref_slice %arg7[%mul3A_16, %dma_wait3A_39] : memref<10112x16xf32, #tpu.memory_space<vmem_shared>> -> memref<632x16xf32, #tpu.memory_space<vmem_shared>>
      tpu.wait_dma2 semaphore(%run_scoped3A_34 : memref<!tpu.dma_semaphore, #tpu.memory_space<semaphore_mem>>) src(%arg6 : memref<632x16xf32, #tpu.memory_space<vmem>>) dst(%dma_wait3A_40 : memref<632x16xf32, #tpu.memory_space<vmem_shared>>)
      tpu.yield
    }) : () -> ()
    %barrier3A = arith.constant 0 : index
    tpu.barrier barrier_id(%barrier3A)
    %scan3A_17 = arith.constant 0 : i32
    %scan3A_18 = arith.constant 0 : i32
    %scan3A_19 = arith.constant 80 : i32
    %scan3A_20 = arith.addi %scan3A_18, %scan3A_19 : i32
    %scan3A_21 = arith.constant 1 : i32
    scf.for %scan3A_34 = %scan3A_18 to %scan3A_20 step %scan3A_21  : i32 {
      %dma_start3A = arith.constant 0 : i32
      %dma_start3A_35 = tpu.memref_slice %arg4[%scan3A_34, %dma_start3A] : memref<80x125xi32, #tpu.memory_space<vmem>> -> memref<1x125xi32, #tpu.memory_space<vmem>>
      %dma_start3A_36 = tpu.memref_squeeze %dma_start3A_35 : memref<1x125xi32, #tpu.memory_space<vmem>> -> memref<125xi32, #tpu.memory_space<vmem>>
      %dma_start3A_37 = arith.constant 0 : i32
      %dma_start3A_38 = arith.constant 0 : i32
      %dma_start3A_39 = tpu.memref_slice %arg7[%dma_start3A_37, %dma_start3A_38] : memref<10112x16xf32, #tpu.memory_space<vmem_shared>> -> memref<10112x16xf32, #tpu.memory_space<vmem_shared>>
      tpu.enqueue_indirect_dma source(%arg5 : memref<125x16xf32, #tpu.memory_space<vmem>>) target(%dma_start3A_39 : memref<10112x16xf32, #tpu.memory_space<vmem_shared>>) offsets(%dma_start3A_36 : memref<125xi32, #tpu.memory_space<vmem>>) semaphore(%arg8 : memref<!tpu.dma_semaphore, #tpu.memory_space<semaphore_mem>>) {add = true}
    }
    %scan3A_22 = arith.constant 80 : i32
    %scan3A_23 = arith.constant 0 : i32
    %scan3A_24 = arith.constant 0 : i32
    %scan3A_25 = arith.constant 80 : i32
    %scan3A_26 = arith.addi %scan3A_24, %scan3A_25 : i32
    %scan3A_27 = arith.constant 1 : i32
    scf.for %scan3A_34 = %scan3A_24 to %scan3A_26 step %scan3A_27  : i32 {
      %dma_wait3A = arith.constant 0 : i32
      %dma_wait3A_35 = tpu.memref_slice %arg4[%scan3A_34, %dma_wait3A] : memref<80x125xi32, #tpu.memory_space<vmem>> -> memref<1x125xi32, #tpu.memory_space<vmem>>
      %dma_wait3A_36 = tpu.memref_squeeze %dma_wait3A_35 : memref<1x125xi32, #tpu.memory_space<vmem>> -> memref<125xi32, #tpu.memory_space<vmem>>
      %dma_wait3A_37 = arith.constant 0 : i32
      %dma_wait3A_38 = arith.constant 0 : i32
      %dma_wait3A_39 = tpu.memref_slice %arg7[%dma_wait3A_37, %dma_wait3A_38] : memref<10112x16xf32, #tpu.memory_space<vmem_shared>> -> memref<10112x16xf32, #tpu.memory_space<vmem_shared>>
      tpu.wait_indirect_dma semaphore(%arg8 : memref<!tpu.dma_semaphore, #tpu.memory_space<semaphore_mem>>) src(%arg5 : memref<125x16xf32, #tpu.memory_space<vmem>>) dst(%dma_wait3A_39 : memref<10112x16xf32, #tpu.memory_space<vmem_shared>>)
    }
    %scan3A_28 = arith.constant 80 : i32
    %barrier3A_29 = arith.constant 0 : index
    tpu.barrier barrier_id(%barrier3A_29)
    %mul3A_30 = arith.constant 632 : i32
    %mul3A_31 = arith.muli %arg1, %mul3A_30 : i32
    %mul3A_32 = arith.constant 632 : i32
    %mul3A_33 = arith.muli %arg1, %mul3A_32 : i32
    "tpu.region"() ({
      %run_scoped3A_34 = tpu.sem_alloc : memref<!tpu.dma_semaphore, #tpu.memory_space<semaphore_mem>>
      %dma_start3A = arith.constant 0 : i32
      %dma_start3A_35 = tpu.memref_slice %arg3[%arg0, %mul3A_33, %dma_start3A] : memref<2x10112x16xf32, #tpu.memory_space<hbm>> -> memref<1x632x16xf32, #tpu.memory_space<hbm>>
      %dma_start3A_36 = tpu.memref_squeeze %dma_start3A_35 : memref<1x632x16xf32, #tpu.memory_space<hbm>> -> memref<632x16xf32, #tpu.memory_space<hbm>>
      %dma_start3A_37 = arith.constant 0 : i32
      %dma_start3A_38 = tpu.memref_slice %arg7[%mul3A_31, %dma_start3A_37] : memref<10112x16xf32, #tpu.memory_space<vmem_shared>> -> memref<632x16xf32, #tpu.memory_space<vmem_shared>>
      tpu.enqueue_dma source(%dma_start3A_38 : memref<632x16xf32, #tpu.memory_space<vmem_shared>>) target(%dma_start3A_36 : memref<632x16xf32, #tpu.memory_space<hbm>>) target_semaphore(%run_scoped3A_34 : memref<!tpu.dma_semaphore, #tpu.memory_space<semaphore_mem>>)
      %dma_wait3A = arith.constant 0 : i32
      %dma_wait3A_39 = tpu.memref_slice %arg3[%arg0, %mul3A_33, %dma_wait3A] : memref<2x10112x16xf32, #tpu.memory_space<hbm>> -> memref<1x632x16xf32, #tpu.memory_space<hbm>>
      %dma_wait3A_40 = tpu.memref_squeeze %dma_wait3A_39 : memref<1x632x16xf32, #tpu.memory_space<hbm>> -> memref<632x16xf32, #tpu.memory_space<hbm>>
      %dma_wait3A_41 = arith.constant 0 : i32
      %dma_wait3A_42 = tpu.memref_slice %arg7[%mul3A_31, %dma_wait3A_41] : memref<10112x16xf32, #tpu.memory_space<vmem_shared>> -> memref<632x16xf32, #tpu.memory_space<vmem_shared>>
      tpu.wait_dma2 semaphore(%run_scoped3A_34 : memref<!tpu.dma_semaphore, #tpu.memory_space<semaphore_mem>>) src(%dma_wait3A_42 : memref<632x16xf32, #tpu.memory_space<vmem_shared>>) dst(%dma_wait3A_40 : memref<632x16xf32, #tpu.memory_space<hbm>>)
      tpu.yield
    }) : () -> ()
    return
  }
}

module attributes {stable_mosaic.version = 14 : i64} {
  func.func @_tc1_body(%arg0: memref<10000x128xf32, #tpu.memory_space<vmem>>, %arg1: memref<128x128xf32, #tpu.memory_space<vmem>>, %arg2: memref<128x32xf32, #tpu.memory_space<vmem>>, %arg3: memref<2x10112x16xf32, #tpu.memory_space<vmem>>, %arg4: memref<10112x32xf32, #tpu.memory_space<vmem>>, %arg5: memref<79x128xf32, #tpu.memory_space<vmem>>) attributes {dimension_semantics = [], scalar_prefetch = 0 : i64, scratch_operands = 0 : i64, tpu.core_type = #tpu.core_type<tc>} {
    %get3A = arith.constant 0 : index
    %get3A_0 = arith.constant 0 : index
    %get3A_1 = arith.constant 0 : index
    %get3A_2 = vector.load %arg3[%get3A, %get3A_0, %get3A_1] : memref<2x10112x16xf32, #tpu.memory_space<vmem>>, vector<1x10112x1xf32>
    %get3A_3 = vector.shape_cast %get3A_2 : vector<1x10112x1xf32> to vector<10112xf32>
    %add3A = arith.constant 1.000000e+00 : f32
    %add3A_4 = vector.broadcast %add3A : f32 to vector<10112xf32>
    %add3A_5 = arith.addf %add3A_4, %get3A_3 : vector<10112xf32>
    %get3A_6 = arith.constant 1 : index
    %get3A_7 = arith.constant 0 : index
    %get3A_8 = arith.constant 0 : index
    %get3A_9 = vector.load %arg3[%get3A_6, %get3A_7, %get3A_8] : memref<2x10112x16xf32, #tpu.memory_space<vmem>>, vector<1x10112x1xf32>
    %get3A_10 = vector.shape_cast %get3A_9 : vector<1x10112x1xf32> to vector<10112xf32>
    %add3A_11 = arith.addf %add3A_5, %get3A_10 : vector<10112xf32>
    %rsqrt3A = math.rsqrt %add3A_11 : vector<10112xf32>
    %mul3A = arith.constant 5.000000e-01 : f32
    %mul3A_12 = vector.broadcast %mul3A : f32 to vector<10112xf32>
    %mul3A_13 = arith.mulf %mul3A_12, %add3A_11 : vector<10112xf32>
    %mul3A_14 = arith.mulf %mul3A_13, %rsqrt3A : vector<10112xf32>
    %mul3A_15 = arith.mulf %mul3A_14, %rsqrt3A : vector<10112xf32>
    %sub3A = arith.constant 1.500000e+00 : f32
    %sub3A_16 = vector.broadcast %sub3A : f32 to vector<10112xf32>
    %sub3A_17 = arith.subf %sub3A_16, %mul3A_15 : vector<10112xf32>
    %mul3A_18 = arith.mulf %rsqrt3A, %sub3A_17 : vector<10112xf32>
    %slice3A = vector.extract_strided_slice %mul3A_18 {offsets = [0], sizes = [10000], strides = [1]} : vector<10112xf32> to vector<10000xf32>
    %get3A_19 = arith.constant 0 : index
    %get3A_20 = arith.constant 0 : index
    %get3A_21 = vector.load %arg1[%get3A_19, %get3A_20] : memref<128x128xf32, #tpu.memory_space<vmem>>, vector<128x128xf32>
    %get3A_22 = arith.constant 0 : index
    %get3A_23 = arith.constant 0 : index
    %get3A_24 = vector.load %arg2[%get3A_22, %get3A_23] : memref<128x32xf32, #tpu.memory_space<vmem>>, vector<128x32xf32>
    %dot_general3A = arith.constant dense<0.000000e+00> : vector<128x32xf32>
    %dot_general3A_25 = tpu.matmul %get3A_21, %get3A_24, %dot_general3A {dimension_numbers = #tpu.dot_dimension_numbers<[1], [0], [0], [1], [0, 0, 1, 1], [], []>, transpose_lhs_hint = false} : vector<128x128xf32>, vector<128x32xf32>, vector<128x32xf32> -> vector<128x32xf32>
    %get3A_26 = arith.constant 0 : index
    %get3A_27 = arith.constant 0 : index
    %get3A_28 = vector.load %arg0[%get3A_26, %get3A_27] : memref<10000x128xf32, #tpu.memory_space<vmem>>, vector<10000x128xf32>
    %dot_general3A_29 = arith.constant dense<0.000000e+00> : vector<10000x32xf32>
    %dot_general3A_30 = tpu.matmul %get3A_28, %dot_general3A_25, %dot_general3A_29 {dimension_numbers = #tpu.dot_dimension_numbers<[1], [0], [0], [1], [0, 0, 1, 1], [], []>, transpose_lhs_hint = false} : vector<10000x128xf32>, vector<128x32xf32>, vector<10000x32xf32> -> vector<10000x32xf32>
    %broadcast_in_dim3A = vector.shape_cast %slice3A : vector<10000xf32> to vector<10000x1xf32>
    %mul3A_31 = vector.broadcast %broadcast_in_dim3A : vector<10000x1xf32> to vector<10000x32xf32>
    %mul3A_32 = arith.mulf %dot_general3A_30, %mul3A_31 : vector<10000x32xf32>
    %swap3A = arith.constant 0 : index
    %swap3A_33 = arith.constant 0 : index
    %swap3A_34 = vector.load %arg4[%swap3A, %swap3A_33] : memref<10112x32xf32, #tpu.memory_space<vmem>>, vector<10000x32xf32>
    tpu.vector_store %arg4[%swap3A, %swap3A_33], %mul3A_32 {strides = array<i32>} : memref<10112x32xf32, #tpu.memory_space<vmem>>, vector<10000x32xf32>,
    %broadcast_in_dim3A_35 = arith.constant 0.000000e+00 : f32
    %broadcast_in_dim3A_36 = vector.broadcast %broadcast_in_dim3A_35 : f32 to vector<112x32xf32>
    %swap3A_37 = arith.constant 10000 : index
    %swap3A_38 = arith.constant 0 : index
    %swap3A_39 = vector.load %arg4[%swap3A_37, %swap3A_38] : memref<10112x32xf32, #tpu.memory_space<vmem>>, vector<112x32xf32>
    tpu.vector_store %arg4[%swap3A_37, %swap3A_38], %broadcast_in_dim3A_36 {strides = array<i32>} : memref<10112x32xf32, #tpu.memory_space<vmem>>, vector<112x32xf32>,
    %reshape3A = vector.shape_cast %mul3A_18 : vector<10112xf32> to vector<79x128xf32>
    %swap3A_40 = arith.constant 0 : index
    %swap3A_41 = arith.constant 0 : index
    %swap3A_42 = vector.load %arg5[%swap3A_40, %swap3A_41] : memref<79x128xf32, #tpu.memory_space<vmem>>, vector<79x128xf32>
    tpu.vector_store %arg5[%swap3A_40, %swap3A_41], %reshape3A {strides = array<i32>} : memref<79x128xf32, #tpu.memory_space<vmem>>, vector<79x128xf32>,
    return
  }
}

module attributes {stable_mosaic.version = 14 : i64} {
  func.func @_tc2_body(%arg0: memref<2x10112x32xf32, #tpu.memory_space<vmem>>, %arg1: memref<10112x32xf32, #tpu.memory_space<vmem>>, %arg2: memref<79x128xf32, #tpu.memory_space<vmem>>, %arg3: memref<1x128xf32, #tpu.memory_space<vmem>>, %arg4: memref<128x32xf32, #tpu.memory_space<vmem>>, %arg5: memref<1x32xf32, #tpu.memory_space<vmem>>, %arg6: memref<32x32xf32, #tpu.memory_space<vmem>>, %arg7: memref<1x32xf32, #tpu.memory_space<vmem>>, %arg8: memref<32x1xf32, #tpu.memory_space<vmem>>, %arg9: memref<1x1xf32, #tpu.memory_space<vmem>>, %arg10: memref<10000x1xf32, #tpu.memory_space<vmem>>) attributes {dimension_semantics = [], scalar_prefetch = 0 : i64, scratch_operands = 0 : i64, tpu.core_type = #tpu.core_type<tc>} {
    %get3A = arith.constant 0 : index
    %get3A_0 = arith.constant 0 : index
    %get3A_1 = vector.load %arg2[%get3A, %get3A_0] : memref<79x128xf32, #tpu.memory_space<vmem>>, vector<79x128xf32>
    %reshape3A = vector.shape_cast %get3A_1 : vector<79x128xf32> to vector<10112xf32>
    %slice3A = vector.extract_strided_slice %reshape3A {offsets = [0], sizes = [10000], strides = [1]} : vector<10112xf32> to vector<10000xf32>
    %get3A_2 = arith.constant 0 : index
    %get3A_3 = arith.constant 0 : index
    %get3A_4 = arith.constant 0 : index
    %get3A_5 = vector.load %arg0[%get3A_2, %get3A_3, %get3A_4] : memref<2x10112x32xf32, #tpu.memory_space<vmem>>, vector<1x10000x32xf32>
    %get3A_6 = vector.shape_cast %get3A_5 : vector<1x10000x32xf32> to vector<10000x32xf32>
    %get3A_7 = arith.constant 1 : index
    %get3A_8 = arith.constant 0 : index
    %get3A_9 = arith.constant 0 : index
    %get3A_10 = vector.load %arg0[%get3A_7, %get3A_8, %get3A_9] : memref<2x10112x32xf32, #tpu.memory_space<vmem>>, vector<1x10000x32xf32>
    %get3A_11 = vector.shape_cast %get3A_10 : vector<1x10000x32xf32> to vector<10000x32xf32>
    %add3A = arith.addf %get3A_6, %get3A_11 : vector<10000x32xf32>
    %broadcast_in_dim3A = vector.shape_cast %slice3A : vector<10000xf32> to vector<10000x1xf32>
    %get3A_12 = arith.constant 0 : index
    %get3A_13 = arith.constant 0 : index
    %get3A_14 = vector.load %arg1[%get3A_12, %get3A_13] : memref<10112x32xf32, #tpu.memory_space<vmem>>, vector<10000x32xf32>
    %add3A_15 = arith.addf %add3A, %get3A_14 : vector<10000x32xf32>
    %mul3A = vector.broadcast %broadcast_in_dim3A : vector<10000x1xf32> to vector<10000x32xf32>
    %mul3A_16 = arith.mulf %mul3A, %add3A_15 : vector<10000x32xf32>
    %get3A_17 = arith.constant 0 : index
    %get3A_18 = arith.constant 0 : index
    %get3A_19 = vector.load %arg3[%get3A_17, %get3A_18] : memref<1x128xf32, #tpu.memory_space<vmem>>, vector<1x128xf32>
    %get3A_20 = arith.constant 0 : index
    %get3A_21 = arith.constant 0 : index
    %get3A_22 = vector.load %arg4[%get3A_20, %get3A_21] : memref<128x32xf32, #tpu.memory_space<vmem>>, vector<128x32xf32>
    %dot_general3A = arith.constant dense<0.000000e+00> : vector<1x32xf32>
    %dot_general3A_23 = tpu.matmul %get3A_19, %get3A_22, %dot_general3A {dimension_numbers = #tpu.dot_dimension_numbers<[1], [0], [0], [1], [0, 0, 1, 1], [], []>, transpose_lhs_hint = false} : vector<1x128xf32>, vector<128x32xf32>, vector<1x32xf32> -> vector<1x32xf32>
    %get3A_24 = arith.constant 0 : index
    %get3A_25 = arith.constant 0 : index
    %get3A_26 = vector.load %arg5[%get3A_24, %get3A_25] : memref<1x32xf32, #tpu.memory_space<vmem>>, vector<1x32xf32>
    %add3A_27 = arith.addf %dot_general3A_23, %get3A_26 : vector<1x32xf32>
    %add3A_28 = vector.broadcast %add3A_27 : vector<1x32xf32> to vector<10000x32xf32>
    %add3A_29 = arith.addf %mul3A_16, %add3A_28 : vector<10000x32xf32>
    %max3A = arith.constant 0.000000e+00 : f32
    %max3A_30 = vector.broadcast %max3A : f32 to vector<10000x32xf32>
    %max3A_31 = arith.maximumf %add3A_29, %max3A_30 : vector<10000x32xf32>
    %get3A_32 = arith.constant 0 : index
    %get3A_33 = arith.constant 0 : index
    %get3A_34 = vector.load %arg6[%get3A_32, %get3A_33] : memref<32x32xf32, #tpu.memory_space<vmem>>, vector<32x32xf32>
    %dot_general3A_35 = arith.constant dense<0.000000e+00> : vector<10000x32xf32>
    %dot_general3A_36 = tpu.matmul %max3A_31, %get3A_34, %dot_general3A_35 {dimension_numbers = #tpu.dot_dimension_numbers<[1], [0], [0], [1], [0, 0, 1, 1], [], []>, transpose_lhs_hint = false} : vector<10000x32xf32>, vector<32x32xf32>, vector<10000x32xf32> -> vector<10000x32xf32>
    %get3A_37 = arith.constant 0 : index
    %get3A_38 = arith.constant 0 : index
    %get3A_39 = vector.load %arg7[%get3A_37, %get3A_38] : memref<1x32xf32, #tpu.memory_space<vmem>>, vector<1x32xf32>
    %add3A_40 = vector.broadcast %get3A_39 : vector<1x32xf32> to vector<10000x32xf32>
    %add3A_41 = arith.addf %dot_general3A_36, %add3A_40 : vector<10000x32xf32>
    %max3A_42 = arith.constant 0.000000e+00 : f32
    %max3A_43 = vector.broadcast %max3A_42 : f32 to vector<10000x32xf32>
    %max3A_44 = arith.maximumf %add3A_41, %max3A_43 : vector<10000x32xf32>
    %get3A_45 = arith.constant 0 : index
    %get3A_46 = arith.constant 0 : index
    %get3A_47 = vector.load %arg8[%get3A_45, %get3A_46] : memref<32x1xf32, #tpu.memory_space<vmem>>, vector<32x1xf32>
    %dot_general3A_48 = arith.constant dense<0.000000e+00> : vector<10000x1xf32>
    %dot_general3A_49 = tpu.matmul %max3A_44, %get3A_47, %dot_general3A_48 {dimension_numbers = #tpu.dot_dimension_numbers<[1], [0], [0], [1], [0, 0, 1, 1], [], []>, transpose_lhs_hint = false} : vector<10000x32xf32>, vector<32x1xf32>, vector<10000x1xf32> -> vector<10000x1xf32>
    %get3A_50 = arith.constant 0 : index
    %get3A_51 = arith.constant 0 : index
    %get3A_52 = vector.load %arg9[%get3A_50, %get3A_51] : memref<1x1xf32, #tpu.memory_space<vmem>>, vector<1x1xf32>
    %add3A_53 = vector.broadcast %get3A_52 : vector<1x1xf32> to vector<10000x1xf32>
    %add3A_54 = arith.addf %dot_general3A_49, %add3A_53 : vector<10000x1xf32>
    %swap3A = arith.constant 0 : index
    %swap3A_55 = arith.constant 0 : index
    %swap3A_56 = vector.load %arg10[%swap3A, %swap3A_55] : memref<10000x1xf32, #tpu.memory_space<vmem>>, vector<10000x1xf32>
    tpu.vector_store %arg10[%swap3A, %swap3A_55], %add3A_54 {strides = array<i32>} : memref<10000x1xf32, #tpu.memory_space<vmem>>, vector<10000x1xf32>,
    return
  }
}

</mosaic_0001>

<sc_bundles>
// kernel: kernel.6.cloned.1.call-start
scs
__scs_entry_jumppad:
0x0: {  	(pc) =	sbr.rel $0x88, $3  }
0x1: {  	(tag) =	ssettag $0x0;
	lr =	simm.s32 $0x1  }
0x2: {  	[smem:$0x3F97] =	sst lr;
	_ =	strace $0xD0000000  }
0x3: {  	_ = 	snop  }
0x4: {  	_ = 	snop  }
0x5: {  	_ = 	snop  }
0x6: {  	_ = 	snop  }
0x7: {  	_ = 	snop  }
__scs_overlays_trampoline_lowered:
0x8: {  	[smem:$0x3FA6] =	sst s0  }
0x9: {  	[smem:$0x3FA7] =	sst s1  }
0xa: {  	[smem:$0x3FA8] =	sst s2  }
0xb: {  	[smem:$0x3FA9] =	sst s3  }
0xc: {  	[smem:$0x3FAA] =	sst s4  }
0xd: {  	[smem:$0x3FAB] =	sst s5  }
0xe: {  	[smem:$0x3FAC] =	sst s6  }
0xf: {  	[smem:$0x3FAD] =	sst s7  }
0x10: {  	[smem:$0x3FAE] =	sst s8  }
0x11: {  	[smem:$0x3FAF] =	sst s9;
	s0 =	simm.s32 @!p0 $0x0  }
0x12: {  	s1 =	sld [smem:$0x3F95];
	s0 =	simm.s32 @p0 $0x1  }
0x13: {  	[smem:$0x3FB0] =	sst s0;
	s0 =	simm.s32 @!p1 $0x0  }
0x14: {  	s2 =	sld [smem:$0x3F94];
	s0 =	simm.s32 @p1 $0x1  }
0x15: {  	[smem:$0x3FB1] =	sst s0;
	s0 =	simm.s32 @!p2 $0x0  }
0x16: {  	s3 =	sld [smem:$0x3FDB];
	s0 =	simm.s32 @p2 $0x1  }
0x17: {  	s4 =	simm.s32 $0x1BF5;
	[smem:$0x3FB3] =	sst s0  }
0x18: {  	s0 =	sld [smem:$0x3F96];
	_ =	swait.ge [sflag:s4], $0x0  }
0x19: {  	s7 =	sld [smem:$0x3F97]  }
0x1a: {  	s8 =	sadd.s32 $0xFFFFE003, lr  }
0x1b: {  	s9 =	sadd.s32 $0xFFFFFEF7, lr;
	s5 =	simm.s32 $0xFFFFFFFF;
	p2 =	slt.u32 s8, $0xFFFFF086  }
0x1c: {  	p1 =	slt.u32 s9, $0xF7A;
	s5 =	simm.s32 @!p2 $0x0  }
0x1d: {  	s5 =	simm.s32 @p1 $0x1;
	p0 =	seq.s32 s7, s2  }
0x1e: {  	s7 =	smul.u32 @!p0 $0xF7A, s2;
	p2 =	seq.s32 @!p0 s5, $0x0  }
0x1f: {  	s9 =	smul.u32 $0xF7A, s1;
	s8 =	simm.s32 @!p0 $0x1BF5;
	p2 =	por !p2, p0  }
0x20: {  	[sflag:s8] =	ssyncset.s32 @!p0 $0xFFFFF086;
	s6 =	sadd.s32 @!p0 s3, s7;
	s7 =	simm.s32 @!p0 $0x108  }
0x21: {  	s3 =	sadd.s32 s3, s9;
	s6 =	sadd.s32 @!p0 $0x88, s6;
	s7 =	simm.s32 @p2 $0x1082  }
0x22: {  	[simem:s7], [sflag:s8] =	dma.local @!p0 [hbm:s6], $0xF7A  }
0x23: {  	s9 =	sor.u32 $0xD0000000, s2;
	s6 =	simm.s32 $0x108;
	_ =	swait.ge @!p0 [sflag:s8], $0x0  }
0x24: {  	s3 =	sadd.s32 $0x88, s3;
	s6 =	simm.s32 @!p1 $0x1082;
	[sflag:s4] =	ssyncset.s32 $0xFFFFF086  }
0x25: {  	[simem:s6], [sflag:s4] =	dma.local [hbm:s3], $0xF7A  }
0x26: {  	[smem:$0x3F97] =	sst s1;
	(tag) =	ssettag s2;
	_ =	strace s9  }
0x27: {  	s1 =	sld [smem:$0x3FA7]  }
0x28: {  	s2 =	sld [smem:$0x3FA8]  }
0x29: {  	s4 =	sld [smem:$0x3FAA]  }
0x2a: {  	p0 =	seq.s32 s5, $0x0;
	s5 =	sld [smem:$0x3FAB]  }
0x2b: {  	s6 =	sld [smem:$0x3FAC]  }
0x2c: {  	s7 =	sld [smem:$0x3FAD]  }
0x2d: {  	s3 =	simm.s32 $0x108;
	s8 =	sld [smem:$0x3FAE]  }
0x2e: {  	s3 =	simm.s32 @!p0 $0x1082;
	s9 =	sld [smem:$0x3FAF]  }
0x2f: {  	lr =	sadd.s32 s0, s3;
	s0 =	sld [smem:$0x3FA6]  }
0x30: {  	s3 =	sld [smem:$0x3FA9]  }
0x31: {  	[smem:$0x3FB2] =	sst s10  }
0x32: {  	s10 =	sld [smem:$0x3FB0];
	_ =	sdelay $0x3  }
0x33: {  	p0 =	seq.s32 s10, $0x1;
	s10 =	sld [smem:$0x3FB2];
	_ =	sdelay $0x3  }
0x34: {  	[smem:$0x3FB2] =	sst s10  }
0x35: {  	s10 =	sld [smem:$0x3FB1];
	_ =	sdelay $0x3  }
0x36: {  	p1 =	seq.s32 s10, $0x1;
	s10 =	sld [smem:$0x3FB2];
	_ =	sdelay $0x3  }
0x37: {  	[smem:$0x3FB2] =	sst s10  }
0x38: {  	s10 =	sld [smem:$0x3FB3]  }
0x39: {  	_ = 	snop;
	(pc) =	sbr.ind lr, $3  }
0x3a: {  	_ = 	snop  }
0x3b: {  	_ = 	snop  }
0x3c: {  	p2 =	seq.s32 s10, $0x1;
	s10 =	sld [smem:$0x3FB2]  }
0x3d: {  	_ =	shalt  }
0x3e: {  	_ =	shalt  }
0x3f: {  	_ =	shalt  }
0x40: {  	_ =	shalt  }
0x41: {  	_ =	shalt  }
0x42: {  	_ =	shalt  }
0x43: {  	_ =	shalt  }
0x44: {  	_ =	shalt  }
0x45: {  	_ =	shalt  }
0x46: {  	_ =	shalt  }
0x47: {  	_ =	shalt  }
0x48: {  	_ =	shalt  }
0x49: {  	_ =	shalt  }
0x4a: {  	_ =	shalt  }
0x4b: {  	_ =	shalt  }
0x4c: {  	_ =	shalt  }
0x4d: {  	_ =	shalt  }
0x4e: {  	_ =	shalt  }
0x4f: {  	_ =	shalt  }
0x50: {  	_ =	shalt  }
0x51: {  	_ =	shalt  }
0x52: {  	_ =	shalt  }
0x53: {  	_ =	shalt  }
0x54: {  	_ =	shalt  }
0x55: {  	_ =	shalt  }
0x56: {  	_ =	shalt  }
0x57: {  	_ =	shalt  }
0x58: {  	_ =	shalt  }
0x59: {  	_ =	shalt  }
0x5a: {  	_ =	shalt  }
0x5b: {  	_ =	shalt  }
0x5c: {  	_ =	shalt  }
0x5d: {  	_ =	shalt  }
0x5e: {  	_ =	shalt  }
0x5f: {  	_ =	shalt  }
0x60: {  	_ =	shalt  }
0x61: {  	_ =	shalt  }
0x62: {  	_ =	shalt  }
0x63: {  	_ =	shalt  }
0x64: {  	_ =	shalt  }
0x65: {  	_ =	shalt  }
0x66: {  	_ =	shalt  }
0x67: {  	_ =	shalt  }
0x68: {  	_ =	shalt  }
0x69: {  	_ =	shalt  }
0x6a: {  	_ =	shalt  }
0x6b: {  	_ =	shalt  }
0x6c: {  	_ =	shalt  }
0x6d: {  	_ =	shalt  }
0x6e: {  	_ =	shalt  }
0x6f: {  	_ =	shalt  }
0x70: {  	_ =	shalt  }
0x71: {  	_ =	shalt  }
0x72: {  	_ =	shalt  }
0x73: {  	_ =	shalt  }
0x74: {  	_ =	shalt  }
0x75: {  	_ =	shalt  }
0x76: {  	_ =	shalt  }
0x77: {  	_ =	shalt  }
0x78: {  	_ =	shalt  }
0x79: {  	_ =	shalt  }
0x7a: {  	_ =	shalt  }
0x7b: {  	_ =	shalt  }
0x7c: {  	_ =	shalt  }
0x7d: {  	_ =	shalt  }
0x7e: {  	_ =	shalt  }
0x7f: {  	_ =	shalt  }
0x80: {  	_ =	shalt  }
0x81: {  	_ =	shalt  }
0x82: {  	_ =	shalt  }
0x83: {  	_ =	shalt  }
0x84: {  	_ =	shalt  }
0x85: {  	_ =	shalt  }
0x86: {  	_ =	shalt  }
0x87: {  	_ =	shalt  }
.Lfunc_end0:
.L_simem_size_0:
called_computation_lowered:
.L_overlay_start_0:
0x88: {  	s2 =	sld [smem:$0x3FD9]  }
0x89: {  	s3 =	sld [smem:$0x3FFE];
	_ =	sdelay $0x1  }
0x8a: {  	s1 =	srdreg.scid  }
0x8b: {  	s0 =	sand.u32 $0x1, s1  }
0x8c: {  	s16 =	sshll.u32 s0, $0xA;
	s2 =	sadd.s32 s3, s2  }
0x8d: {  	s2 =	sadd.s32 s2, s16  }
0x8e: {  	[smem:$0x3FBE] =	sst s2  }
0x8f: {  	_ = 	snop  }
0x90: {  	(tm) =	ssettm $0x1  }
0x91: {  	s17 =	sld [smem:$0x3FFB];
	_ =	sdelay $0x3  }
0x92: {  	_ =	strace s17  }
0x93: {  	s2 =	sld [smem:$0x3FFC];
	_ =	sdelay $0x3  }
0x94: {  	_ =	strace s2  }
0x95: {  	s2 =	sld [smem:$0x3FFD];
	_ =	sdelay $0x3  }
0x96: {  	_ =	strace s2  }
0x97: {  	_ =	strace $0x8FFFFFFF  }
0x98: {  	s18 =	sld [smem:$0x3FDB];
	_ =	sdelay $0x1  }
0x99: {  	s19 =	simm.s32 $_scs_section_size  }
0x9a: {  	s4 =	simm.s32 $_size__tile_overlayer_lowered;
	s5 =	simm.s32 $_tile_overlayer_lowered  }
0x9b: {  	s22 =	simm.s32 $0x1BFF;
	s21 =	sshll.u32 s5, $0x1;
	s2 =	sadd.s32 s19, s18  }
0x9c: {  	s6 =	simm.s32 $0x0;
	s20 =	sshll.u32 s4, $0x1;
	s4 =	sadd.s32 s21, s2  }
0x9d: {  	[timem:s6], [sflag:s22] =	dma.local [hbm:s4], s20  }
0x9e: {  	_ =	swait.ge [sflag:s22], s20  }
0x9f: {  	s3 =	ssub.s32 $0x0, s20;
	[sflag:s22] =	ssyncset.done $0x0  }
0xa0: {  	[sflag:s22] =	ssyncadd.s32 s3;
	_ =	sdelay $0x1  }
0xa1: {  	s23 =	simm.s32 $0x1B8B  }
0xa2: {  	_ =	swait.ge [sflag:s23], $0x1  }
0xa3: {  	[sflag:s23] =	ssyncset.done $0x0  }
0xa4: {  	s25 =	simm.s32 $0x1B8E;
	s24 =	sld [smem:$0x3FFE];
	[sflag:s23] =	ssyncadd.s32 $0xFFFFFFFF  }
0xa5: {  	s26 =	simm.s32 $execute0_lowered;
	[smem:$0x3FD2] =	sst s25  }
0xa6: {  	s4 =	sshll.u32 s26, $0x1;
	_ =	strace $0x80000046;
	[dreg:$0x1] =	wrdreg $0xFFFFFFFF  }
0xa7: {  	s28 =	simm.s32 $_size_execute0_lowered;
	s2 =	sadd.s32 s2, s4;
	[dreg:$0x0] =	wrdreg $0x0  }
0xa8: {  	s4 =	sshll.u32 s28, $0x1;
	[dreg:$0x2] =	wrdreg s2  }
0xa9: {  	[dreg:$0x3] =	wrdreg s4  }
0xaa: {  	[dreg:$0x4] =	wrdreg $0xC0  }
0xab: {  	_ =	task [dreg:s6], $0x5FFFF  }
0xac: {  	[dreg:$0x1] =	wrdreg $0xFFFFFFFF  }
0xad: {  	[dreg:$0x0] =	wrdreg $0x60  }
0xae: {  	[dreg:$0x2] =	wrdreg s24  }
0xaf: {  	[dreg:$0x3] =	wrdreg $0x57500  }
0xb0: {  	[dreg:$0x4] =	wrdreg $0x9  }
0xb1: {  	_ =	task.clear_ibuf [dreg:s6], $0x5FFFF;
	_ =	strace $0x90000046  }
0xb2: {  	s29 =	simm.s32 $0x9;
	_ =	strace $0x80000048  }
0xb3: {  	_ =	swait.ge [sflag:s29], $0x1  }
0xb4: {  	[sflag:s29] =	ssyncadd.s32 $0xFFFFFFFF  }
0xb5: {  	_ =	strace $0x90000048  }
0xb6: {  	_ =	sfence  }
0xb7: {  	s30 =	sld [smem:$0x0];
	_ =	sdelay $0x2  }
0xb8: {  	s31 =	sshll.u32 s1, $0xD;
	s1 =	sshrl.u32 s1, $0x2  }
0xb9: {  	s3 =	sand.u32 $0x4000, s31;
	s1 =	sadd.s32 s1, s30  }
0xba: {  	s0 =	sor.u32 s3, s0;
	s1 =	sshll.u32 s1, $0x11  }
0xbb: {  	s0 =	sor.u32 s1, s0  }
0xbc: {  	s0 =	sadd.s32 $0x8F2B, s0  }
0xbd: {  	[sflag:s0] =	ssyncadd.remote.s32 $0x1  }
0xbe: {  	_ =	sfence.sel $0xFFFF  }
0xbf: {  	[dreg:$0x0] =	wrdreg $0xFFFFFFFF;
	(pc) =	sbr.abs _section_cstart, $3  }
0xc0: {  	[dreg:$0x1] =	wrdreg $0xFFFFFFFF  }
0xc1: {  	_ =	task.clear_ibuf [dreg:s6], $0x2FFFF;
	_ =	strace $0x9FFFFFFF  }
0xc2: {  	(tm) =	ssettm $0x7FFFFFFF  }
0xc3: {  	_ =	shalt  }
tec
execute0_lowered:
.L_overlay_start_1:
0x0: {  	(tag) =	ssettag $0x1  }
0x1: {  	s4 =	rddreg [dreg:$0x0]  }
0x2: {  	s2 =	rddreg [dreg:$0x1]  }
0x3: {  	s0 =	rddreg [dreg:$0x2]  }
0x4: {  	s3 =	srdreg.scid;
	s1 =	stileid.u32  }
0x5: {  	s10 =	simm.s32 $0x7D;
	s11 =	simm.s32 $0x2800;
	s12 =	simm.s32 $0x1  }
0x6: {  	s15 =	simm.s32 $0x0;
	s5 =	sand.u32 $0x1, s3;
	s6 =	smul.u32 $0x2780, s1  }
0x7: {  	s7 =	sshll.u32 s1, $0x1;
	s3 =	simm.s32 $0x0;
	s13 =	sshll.u32 s1, $0x6  }
0x8: {  	s8 =	smul.u32 $0x27800, s5;
	s7 =	sor.u32 s5, s7;
	[smem:$0x7FF] =	sst s3  }
0x9: {  	s5 =	ssub.s32 $0x2, s5;
	s13 =	sor.u32 $0x1C02, s13;
	s7 =	smul.u32 $0x2800, s7  }
0xa: {  	_ =	strace $0x80000047;
	s9 =	sshrl.u32 s5, $0x1;
	s8 =	sadd.s32 s6, s8  }
0xb: {  	s9 =	ssub.s32 s5, s9;
	s7 =	sshrl.u32 s7, $0x3;
	s8 =	sshrl.u32 s8, $0x3  }
0xc: {  	s5 =	sadd.s32 s6, s2;
	s7 =	sadd.s32 s4, s7;
	s8 =	sadd.s32 s8, s4  }
0xd: {  	s14 =	sshrl.u32 s5, $0x3;
	s4 =	sadd.s32 $0xC000, s7;
	s6 =	sadd.s32 $0x16000, s8  }
0xe: {  	v0 =	vimm.f32 $1.000000000e+00;
	v1 =	vimm.f32 $0.0e+00;
	s7 =	smax.u32 s9, $0x1;
	s8 =	simm.s32 $0x2;
	s9 =	simm.s32 $0x2FD0  }
.LBB2_1:
0xf: {  	[tilespmem:s3], [sflag:$0x2] =	stream.linear.gather [hbm4b:s4+s3], $0x2800, $0x38;
	[tilespmem:$0x7ED0] =	vst v63  }
0x10: {  	_ =	swait.ge [sflag:s8], $0x2800  }
0x11: {  	[sflag:s8] =	ssyncset.done $0x0  }
0x12: {  	s16 =	simm.s32 $0x0;
	[sflag:s8] =	ssyncadd.s32 $0xFFFFD800  }
.LBB2_2:
0x13: {  	p0 =	sne.s32 s16, $0x1F00  }
.Ltmp0:
0x14: {  	_ = 	snop;
	(pc) =	sbr.rel @p0 .LBB2_2-.Ltmp0, $3  }
0x15: {  	_ =	sdelay $0x1  }
0x16: {  	s17 =	sshra.s32 s16, $0x2  }
0x17: {  	s16 =	sadd.s32 $0x40, s16;
	[tilespmem:s17+$0x2800] =	vst v0  }
0x18: {  	s16 =	simm.s32 $0x40;
	s17 =	simm.s32 $0x0  }
.LBB2_4:
0x19: {  	p0 =	sne.s32 s16, $0x9DC0;
	[tilespmem:s17+$0x2FD0] =	vst v1;
	s17 =	smov.u32 s16;
	s16 =	sadd.s32 $0x40, s16  }
.Ltmp1:
0x1a: {  	(pc) =	sbr.rel @p0 .LBB2_4-.Ltmp1, $2  }
0x1b: {  	_ =	sdelay $0x2  }
0x1c: {  	s17 =	sshra.s32 s17, $0x2  }
0x1d: {  	[tilespmem:s17+$0x2FD0] =	vst v1  }
0x1e: {  	[spmem:s5] =	stream.linear.scatter [tilespmem:s9], [sflag:$0x2], $0x2780, $0x38;
	[tilespmem:$0x7ED0] =	vst v63  }
0x1f: {  	_ =	swait.ge [sflag:s8], $0x2780  }
0x20: {  	[sflag:s8] =	ssyncset.done $0x0  }
0x21: {  	[sflag:s8] =	ssyncadd.s32 $0xFFFFD880  }
0x22: {  	s16 =	simm.s32 $0x0;
	[bflag:$0x0] =	sbarrier.arrive $0xFFFF  }
.LBB2_6:
0x23: {  	p0 =	sne.s32 s16, $0x9E00  }
.Ltmp2:
0x24: {  	_ = 	snop;
	(pc) =	sbr.rel @p0 .LBB2_6-.Ltmp2, $3  }
0x25: {  	_ =	sdelay $0x1  }
0x26: {  	s17 =	sshra.s32 s16, $0x2;
	s16 =	sadd.s32 $0x200, s16  }
0x27: {  	[spmem:s2] =	stream.indirect.scatter.add.f32 [tilespmem:s11], [sflag:$0x1], $0x10, s17, s10, $0xb8;
	[tilespmem:$0x7ED0] =	vst v63  }
0x28: {  	_ =	swait.ge [sflag:s12], $0x7D0  }
0x29: {  	s16 =	simm.s32 $0x4F;
	[sflag:s12] =	ssyncset.done $0x0  }
.LBB2_8:
0x2a: {  	p0 =	sne.s32 s16, $0x1;
	s16 =	sadd.s32 $0xFFFFFFFF, s16;
	[sflag:s12] =	ssyncadd.s32 $0xFFFFF830  }
.Ltmp3:
0x2b: {  	(pc) =	sbr.rel @p0 .LBB2_8-.Ltmp3, $3  }
0x2c: {  	_ =	sdelay $0x1  }
0x2d: {  	_ =	swait.ge [sflag:s12], $0x7D0  }
0x2e: {  	[sflag:s12] =	ssyncset.done $0x0  }
0x2f: {  	s15 =	sadd.s32 $0x1, s15  }
0x30: {  	[sflag:s12] =	ssyncadd.s32 $0xFFFFF830;
	p0 =	sne.s32 s15, s7  }
.Ltmp4:
0x31: {  	[bflag:$0x0] =	sbarrier.arrive $0xFFFF;
	(pc) =	sbr.rel @p0 .LBB2_1-.Ltmp4, $4  }
0x32: {  	[hbm:s6], [sflag:s13] =	dma.local [spmem:s14], $0x4F0  }
0x33: {  	_ =	swait.ge [sflag:s8], $0x4F0  }
0x34: {  	[sflag:s8] =	ssyncset.done $0x0  }
0x35: {  	[sflag:s8] =	ssyncadd.s32 $0xFFFFFB10  }
0x36: {  	_ =	sfence.sel $0x180000  }
0x37: {  	[bflag:$0x0] =	sbarrier.arrive $0xFFFF  }
0x38: {  	p0 =	sne.s32 s1, $0x0;
	_ =	strace $0x90000047  }
0x39: {  	s0 =	sadd.s32 @!p0 $0x100000, s0;
	[bflag:$0x2] =	sbarrier.arrive $0xFFFF  }
0x3a: {  	[sflag:s0] =	ssyncadd.tile.s32 @!p0 $0x1;
	_ =	shalt  }
.Lfunc_end2:
_tile_overlayer_lowered:
.L_overlay_start_2:
0x3b: {  	(tag) =	ssettag $0x2  }
0x3c: {  	s0 =	rddreg [dreg:$0x0];
	s2 =	stileid.u32  }
0x3d: {  	s1 =	rddreg [dreg:$0x1];
	p0 =	sne.s32 s2, $0x0  }
0x3e: {  	s3 =	rddreg [dreg:$0x2];
	[bflag:$0x3] =	sbarrier.arrive $0xFFFF;
	s2 =	simm.s32 @!p0 $0x1C02  }
0x3f: {  	[timem:s3], [sflag:s2] =	dma.local @!p0 [hbm:s0], s1  }
0x40: {  	s0 =	simm.s32 @!p0 $0x2  }
0x41: {  	_ =	swait.ge @!p0 [sflag:s0], s1  }
0x42: {  	s1 =	ssub.s32 @!p0 $0x0, s1;
	[sflag:s0] =	ssyncset.done @!p0 $0x0  }
0x43: {  	[sflag:s0] =	ssyncadd.s32 @!p0 s1  }
0x44: {  	[bflag:$0x3] =	sbarrier.arrive $0xFFFF  }
0x45: {  	_ =	shalt  }

// kernel: kernel.9.cloned.1.call-start
scs
__scs_entry_jumppad:
0x0: {  	(pc) =	sbr.rel $0x88, $3  }
0x1: {  	(tag) =	ssettag $0x0;
	lr =	simm.s32 $0x1  }
0x2: {  	[smem:$0x3F97] =	sst lr;
	_ =	strace $0xD0000000  }
0x3: {  	_ = 	snop  }
0x4: {  	_ = 	snop  }
0x5: {  	_ = 	snop  }
0x6: {  	_ = 	snop  }
0x7: {  	_ = 	snop  }
__scs_overlays_trampoline_lowered:
0x8: {  	[smem:$0x3FA6] =	sst s0  }
0x9: {  	[smem:$0x3FA7] =	sst s1  }
0xa: {  	[smem:$0x3FA8] =	sst s2  }
0xb: {  	[smem:$0x3FA9] =	sst s3  }
0xc: {  	[smem:$0x3FAA] =	sst s4  }
0xd: {  	[smem:$0x3FAB] =	sst s5  }
0xe: {  	[smem:$0x3FAC] =	sst s6  }
0xf: {  	[smem:$0x3FAD] =	sst s7  }
0x10: {  	[smem:$0x3FAE] =	sst s8  }
0x11: {  	[smem:$0x3FAF] =	sst s9;
	s0 =	simm.s32 @!p0 $0x0  }
0x12: {  	s1 =	sld [smem:$0x3F95];
	s0 =	simm.s32 @p0 $0x1  }
0x13: {  	[smem:$0x3FB0] =	sst s0;
	s0 =	simm.s32 @!p1 $0x0  }
0x14: {  	s2 =	sld [smem:$0x3F94];
	s0 =	simm.s32 @p1 $0x1  }
0x15: {  	[smem:$0x3FB1] =	sst s0;
	s0 =	simm.s32 @!p2 $0x0  }
0x16: {  	s3 =	sld [smem:$0x3FDB];
	s0 =	simm.s32 @p2 $0x1  }
0x17: {  	s4 =	simm.s32 $0x1BF5;
	[smem:$0x3FB3] =	sst s0  }
0x18: {  	s0 =	sld [smem:$0x3F96];
	_ =	swait.ge [sflag:s4], $0x0  }
0x19: {  	s7 =	sld [smem:$0x3F97]  }
0x1a: {  	s8 =	sadd.s32 $0xFFFFE003, lr  }
0x1b: {  	s9 =	sadd.s32 $0xFFFFFEF7, lr;
	s5 =	simm.s32 $0xFFFFFFFF;
	p2 =	slt.u32 s8, $0xFFFFF086  }
0x1c: {  	p1 =	slt.u32 s9, $0xF7A;
	s5 =	simm.s32 @!p2 $0x0  }
0x1d: {  	s5 =	simm.s32 @p1 $0x1;
	p0 =	seq.s32 s7, s2  }
0x1e: {  	s7 =	smul.u32 @!p0 $0xF7A, s2;
	p2 =	seq.s32 @!p0 s5, $0x0  }
0x1f: {  	s9 =	smul.u32 $0xF7A, s1;
	s8 =	simm.s32 @!p0 $0x1BF5;
	p2 =	por !p2, p0  }
0x20: {  	[sflag:s8] =	ssyncset.s32 @!p0 $0xFFFFF086;
	s6 =	sadd.s32 @!p0 s3, s7;
	s7 =	simm.s32 @!p0 $0x108  }
0x21: {  	s3 =	sadd.s32 s3, s9;
	s6 =	sadd.s32 @!p0 $0x88, s6;
	s7 =	simm.s32 @p2 $0x1082  }
0x22: {  	[simem:s7], [sflag:s8] =	dma.local @!p0 [hbm:s6], $0xF7A  }
0x23: {  	s9 =	sor.u32 $0xD0000000, s2;
	s6 =	simm.s32 $0x108;
	_ =	swait.ge @!p0 [sflag:s8], $0x0  }
0x24: {  	s3 =	sadd.s32 $0x88, s3;
	s6 =	simm.s32 @!p1 $0x1082;
	[sflag:s4] =	ssyncset.s32 $0xFFFFF086  }
0x25: {  	[simem:s6], [sflag:s4] =	dma.local [hbm:s3], $0xF7A  }
0x26: {  	[smem:$0x3F97] =	sst s1;
	(tag) =	ssettag s2;
	_ =	strace s9  }
0x27: {  	s1 =	sld [smem:$0x3FA7]  }
0x28: {  	s2 =	sld [smem:$0x3FA8]  }
0x29: {  	s4 =	sld [smem:$0x3FAA]  }
0x2a: {  	p0 =	seq.s32 s5, $0x0;
	s5 =	sld [smem:$0x3FAB]  }
0x2b: {  	s6 =	sld [smem:$0x3FAC]  }
0x2c: {  	s7 =	sld [smem:$0x3FAD]  }
0x2d: {  	s3 =	simm.s32 $0x108;
	s8 =	sld [smem:$0x3FAE]  }
0x2e: {  	s3 =	simm.s32 @!p0 $0x1082;
	s9 =	sld [smem:$0x3FAF]  }
0x2f: {  	lr =	sadd.s32 s0, s3;
	s0 =	sld [smem:$0x3FA6]  }
0x30: {  	s3 =	sld [smem:$0x3FA9]  }
0x31: {  	[smem:$0x3FB2] =	sst s10  }
0x32: {  	s10 =	sld [smem:$0x3FB0];
	_ =	sdelay $0x3  }
0x33: {  	p0 =	seq.s32 s10, $0x1;
	s10 =	sld [smem:$0x3FB2];
	_ =	sdelay $0x3  }
0x34: {  	[smem:$0x3FB2] =	sst s10  }
0x35: {  	s10 =	sld [smem:$0x3FB1];
	_ =	sdelay $0x3  }
0x36: {  	p1 =	seq.s32 s10, $0x1;
	s10 =	sld [smem:$0x3FB2];
	_ =	sdelay $0x3  }
0x37: {  	[smem:$0x3FB2] =	sst s10  }
0x38: {  	s10 =	sld [smem:$0x3FB3]  }
0x39: {  	_ = 	snop;
	(pc) =	sbr.ind lr, $3  }
0x3a: {  	_ = 	snop  }
0x3b: {  	_ = 	snop  }
0x3c: {  	p2 =	seq.s32 s10, $0x1;
	s10 =	sld [smem:$0x3FB2]  }
0x3d: {  	_ =	shalt  }
0x3e: {  	_ =	shalt  }
0x3f: {  	_ =	shalt  }
0x40: {  	_ =	shalt  }
0x41: {  	_ =	shalt  }
0x42: {  	_ =	shalt  }
0x43: {  	_ =	shalt  }
0x44: {  	_ =	shalt  }
0x45: {  	_ =	shalt  }
0x46: {  	_ =	shalt  }
0x47: {  	_ =	shalt  }
0x48: {  	_ =	shalt  }
0x49: {  	_ =	shalt  }
0x4a: {  	_ =	shalt  }
0x4b: {  	_ =	shalt  }
0x4c: {  	_ =	shalt  }
0x4d: {  	_ =	shalt  }
0x4e: {  	_ =	shalt  }
0x4f: {  	_ =	shalt  }
0x50: {  	_ =	shalt  }
0x51: {  	_ =	shalt  }
0x52: {  	_ =	shalt  }
0x53: {  	_ =	shalt  }
0x54: {  	_ =	shalt  }
0x55: {  	_ =	shalt  }
0x56: {  	_ =	shalt  }
0x57: {  	_ =	shalt  }
0x58: {  	_ =	shalt  }
0x59: {  	_ =	shalt  }
0x5a: {  	_ =	shalt  }
0x5b: {  	_ =	shalt  }
0x5c: {  	_ =	shalt  }
0x5d: {  	_ =	shalt  }
0x5e: {  	_ =	shalt  }
0x5f: {  	_ =	shalt  }
0x60: {  	_ =	shalt  }
0x61: {  	_ =	shalt  }
0x62: {  	_ =	shalt  }
0x63: {  	_ =	shalt  }
0x64: {  	_ =	shalt  }
0x65: {  	_ =	shalt  }
0x66: {  	_ =	shalt  }
0x67: {  	_ =	shalt  }
0x68: {  	_ =	shalt  }
0x69: {  	_ =	shalt  }
0x6a: {  	_ =	shalt  }
0x6b: {  	_ =	shalt  }
0x6c: {  	_ =	shalt  }
0x6d: {  	_ =	shalt  }
0x6e: {  	_ =	shalt  }
0x6f: {  	_ =	shalt  }
0x70: {  	_ =	shalt  }
0x71: {  	_ =	shalt  }
0x72: {  	_ =	shalt  }
0x73: {  	_ =	shalt  }
0x74: {  	_ =	shalt  }
0x75: {  	_ =	shalt  }
0x76: {  	_ =	shalt  }
0x77: {  	_ =	shalt  }
0x78: {  	_ =	shalt  }
0x79: {  	_ =	shalt  }
0x7a: {  	_ =	shalt  }
0x7b: {  	_ =	shalt  }
0x7c: {  	_ =	shalt  }
0x7d: {  	_ =	shalt  }
0x7e: {  	_ =	shalt  }
0x7f: {  	_ =	shalt  }
0x80: {  	_ =	shalt  }
0x81: {  	_ =	shalt  }
0x82: {  	_ =	shalt  }
0x83: {  	_ =	shalt  }
0x84: {  	_ =	shalt  }
0x85: {  	_ =	shalt  }
0x86: {  	_ =	shalt  }
0x87: {  	_ =	shalt  }
.Lfunc_end0:
.L_simem_size_0:
called_computation.1_lowered:
.L_overlay_start_0:
0x88: {  	s2 =	sld [smem:$0x3FD9]  }
0x89: {  	s3 =	sld [smem:$0x3FFE];
	_ =	sdelay $0x1  }
0x8a: {  	s1 =	srdreg.scid  }
0x8b: {  	s0 =	sand.u32 $0x1, s1  }
0x8c: {  	s16 =	sshll.u32 s0, $0xA;
	s2 =	sadd.s32 s3, s2  }
0x8d: {  	s2 =	sadd.s32 s2, s16  }
0x8e: {  	[smem:$0x3FBE] =	sst s2  }
0x8f: {  	_ = 	snop  }
0x90: {  	(tm) =	ssettm $0x1  }
0x91: {  	s17 =	sld [smem:$0x3FFB];
	_ =	sdelay $0x3  }
0x92: {  	_ =	strace s17  }
0x93: {  	s2 =	sld [smem:$0x3FFC];
	_ =	sdelay $0x3  }
0x94: {  	_ =	strace s2  }
0x95: {  	s2 =	sld [smem:$0x3FFD];
	_ =	sdelay $0x3  }
0x96: {  	_ =	strace s2  }
0x97: {  	_ =	strace $0x8FFFFFFF  }
0x98: {  	s18 =	sld [smem:$0x3FDB];
	_ =	sdelay $0x1  }
0x99: {  	s19 =	simm.s32 $_scs_section_size  }
0x9a: {  	s4 =	simm.s32 $_size__tile_overlayer_lowered;
	s5 =	simm.s32 $_tile_overlayer_lowered  }
0x9b: {  	s22 =	simm.s32 $0x1BFF;
	s21 =	sshll.u32 s5, $0x1;
	s2 =	sadd.s32 s19, s18  }
0x9c: {  	s6 =	simm.s32 $0x0;
	s20 =	sshll.u32 s4, $0x1;
	s4 =	sadd.s32 s21, s2  }
0x9d: {  	[timem:s6], [sflag:s22] =	dma.local [hbm:s4], s20  }
0x9e: {  	_ =	swait.ge [sflag:s22], s20  }
0x9f: {  	s3 =	ssub.s32 $0x0, s20;
	[sflag:s22] =	ssyncset.done $0x0  }
0xa0: {  	[sflag:s22] =	ssyncadd.s32 s3;
	_ =	sdelay $0x1  }
0xa1: {  	s23 =	simm.s32 $0x1B8B  }
0xa2: {  	_ =	swait.ge [sflag:s23], $0x1  }
0xa3: {  	[sflag:s23] =	ssyncset.done $0x0  }
0xa4: {  	s25 =	simm.s32 $0x1B8E;
	s24 =	sld [smem:$0x3FFE];
	[sflag:s23] =	ssyncadd.s32 $0xFFFFFFFF  }
0xa5: {  	s26 =	simm.s32 $execute0_lowered;
	[smem:$0x3FD2] =	sst s25  }
0xa6: {  	s4 =	sshll.u32 s26, $0x1;
	_ =	strace $0x80000049;
	[dreg:$0x1] =	wrdreg $0xFFFFFFFF  }
0xa7: {  	s28 =	simm.s32 $_size_execute0_lowered;
	s2 =	sadd.s32 s2, s4;
	[dreg:$0x0] =	wrdreg $0x0  }
0xa8: {  	s4 =	sshll.u32 s28, $0x1;
	[dreg:$0x2] =	wrdreg s2  }
0xa9: {  	[dreg:$0x3] =	wrdreg s4  }
0xaa: {  	[dreg:$0x4] =	wrdreg $0xC0  }
0xab: {  	_ =	task [dreg:s6], $0x5FFFF  }
0xac: {  	[dreg:$0x1] =	wrdreg $0xFFFFFFFF  }
0xad: {  	[dreg:$0x0] =	wrdreg $0x60  }
0xae: {  	[dreg:$0x2] =	wrdreg s24  }
0xaf: {  	[dreg:$0x3] =	wrdreg $0x16B000  }
0xb0: {  	[dreg:$0x4] =	wrdreg $0x11C000  }
0xb1: {  	[dreg:$0x5] =	wrdreg $0x9  }
0xb2: {  	_ =	task.clear_ibuf [dreg:s6], $0x6FFFF;
	_ =	strace $0x90000049  }
0xb3: {  	s29 =	simm.s32 $0x9;
	_ =	strace $0x8000004B  }
0xb4: {  	_ =	swait.ge [sflag:s29], $0x1  }
0xb5: {  	[sflag:s29] =	ssyncadd.s32 $0xFFFFFFFF  }
0xb6: {  	_ =	strace $0x9000004B  }
0xb7: {  	_ =	sfence  }
0xb8: {  	s30 =	sld [smem:$0x0];
	_ =	sdelay $0x2  }
0xb9: {  	s31 =	sshll.u32 s1, $0xD;
	s1 =	sshrl.u32 s1, $0x2  }
0xba: {  	s3 =	sand.u32 $0x4000, s31;
	s1 =	sadd.s32 s1, s30  }
0xbb: {  	s0 =	sor.u32 s3, s0;
	s1 =	sshll.u32 s1, $0x11  }
0xbc: {  	s0 =	sor.u32 s1, s0  }
0xbd: {  	s0 =	sadd.s32 $0x8F2B, s0  }
0xbe: {  	[sflag:s0] =	ssyncadd.remote.s32 $0x1  }
0xbf: {  	_ =	sfence.sel $0xFFFF  }
0xc0: {  	[dreg:$0x0] =	wrdreg $0xFFFFFFFF;
	(pc) =	sbr.abs _section_cstart, $3  }
0xc1: {  	[dreg:$0x1] =	wrdreg $0xFFFFFFFF  }
0xc2: {  	_ =	task.clear_ibuf [dreg:s6], $0x2FFFF;
	_ =	strace $0x9FFFFFFF  }
0xc3: {  	(tm) =	ssettm $0x7FFFFFFF  }
tec
execute0_lowered:
.L_overlay_start_1:
0x0: {  	(tag) =	ssettag $0x1  }
0x1: {  	s0 =	rddreg [dreg:$0x0];
	s9 =	stileid.u32  }
0x2: {  	s1 =	srdreg.scid;
	s2 =	rddreg [dreg:$0x1]  }
0x3: {  	s3 =	rddreg [dreg:$0x2];
	s6 =	simm.s32 $0x0;
	s13 =	simm.s32 $0x11  }
0x4: {  	s16 =	simm.s32 $0x7D;
	s17 =	simm.s32 $0x5000;
	s19 =	simm.s32 $0x5FA0  }
0x5: {  	s28 =	simm.s32 $0x9E20;
	s30 =	simm.s32 $0xADC0;
	s12 =	simm.s32 $0x2  }
0x6: {  	s15 =	simm.s32 $0x3;
	s18 =	simm.s32 $0x4;
	s20 =	simm.s32 $0x5  }
0x7: {  	s29 =	simm.s32 $0x9;
	s31 =	simm.s32 $0xA;
	s10 =	simm.s32 $0x10  }
0x8: {  	s11 =	simm.s32 $0x0;
	s1 =	sand.u32 $0x1, s1;
	s4 =	sshll.u32 s9, $0x1  }
0x9: {  	s5 =	smul.u32 $0x4F00, s9;
	[smem:$0x7FF] =	sst s6;
	s25 =	sshll.u32 s9, $0x6  }
0xa: {  	s9 =	simm.s32 $0xF;
	s4 =	sor.u32 s1, s4;
	s7 =	smul.u32 $0x4F000, s1  }
0xb: {  	_ =	strace $0x8000004A;
	s1 =	ssub.s32 $0x2, s1;
	s14 =	sor.u32 $0x1C11, s25  }
0xc: {  	s25 =	simm.s32 $0x8E80;
	s4 =	smul.u32 $0x2800, s4;
	s21 =	sshrl.u32 s5, $0x3  }
0xd: {  	s8 =	sshrl.u32 s1, $0x1;
	s23 =	sadd.s32 s5, s2;
	[dreg:$0xc] =	wrdreg s14  }
0xe: {  	s6 =	sadd.s32 s21, s0;
	s7 =	sadd.s32 s5, s7;
	s1 =	ssub.s32 s1, s8  }
0xf: {  	s5 =	sadd.s32 s5, s3;
	s26 =	sshrl.u32 s23, $0x3;
	s21 =	simm.s32 $0x6F40  }
0x10: {  	s23 =	simm.s32 $0x7EE0;
	s4 =	sshrl.u32 s4, $0x3;
	s7 =	sshrl.u32 s7, $0x3  }
0x11: {  	s6 =	sadd.s32 $0x16000, s6;
	[dreg:$0x7] =	wrdreg s5;
	s24 =	smax.u32 s1, $0x1  }
0x12: {  	[dreg:$0xa] =	wrdreg s26;
	s1 =	simm.s32 $0xBD60;
	s26 =	simm.s32 $0x8  }
0x13: {  	s5 =	simm.s32 $0xC;
	s4 =	sadd.s32 s4, s0;
	[dreg:$0x6] =	wrdreg s6  }
.Ltmp0:
0x14: {  	[dreg:$0x9] =	wrdreg s24;
	s22 =	sadd.s32 $0x2000, s4;
	(pc) =	sbr.rel .LBB2_1-.Ltmp0, $4  }
0x15: {  	s0 =	sadd.s32 s7, s0;
	s4 =	sadd.s32 $0xC000, s4;
	[dreg:$0x4] =	wrdreg s22  }
0x16: {  	s24 =	simm.s32 $0x7;
	s0 =	sadd.s32 $0x1FE00, s0;
	[dreg:$0x5] =	wrdreg s4  }
0x17: {  	s6 =	simm.s32 $0xD;
	s7 =	simm.s32 $0xE;
	[dreg:$0x8] =	wrdreg s0  }
0x18: {  	v0 =	vimm.f32 $0.0e+00;
	s0 =	simm.s32 $0x1;
	s22 =	simm.s32 $0x6;
	s4 =	simm.s32 $0xB  }
.LBB2_6:
0x19: {  	_ =	swait.ge [sflag:s31], $0xFA0  }
0x1a: {  	[sflag:s31] =	ssyncset.done $0x0  }
0x1b: {  	[sflag:s31] =	ssyncadd.s32 $0xFFFFF060  }
0x1c: {  	_ =	swait.ge [sflag:s4], $0xFA0  }
0x1d: {  	[sflag:s4] =	ssyncset.done $0x0  }
0x1e: {  	[sflag:s4] =	ssyncadd.s32 $0xFFFFF060  }
0x1f: {  	_ =	swait.ge [sflag:s5], $0xFA0  }
0x20: {  	[sflag:s5] =	ssyncset.done $0x0  }
0x21: {  	[sflag:s5] =	ssyncadd.s32 $0xFFFFF060  }
0x22: {  	_ =	swait.ge [sflag:s6], $0xFA0  }
0x23: {  	[sflag:s6] =	ssyncset.done $0x0  }
0x24: {  	[sflag:s6] =	ssyncadd.s32 $0xFFFFF060  }
0x25: {  	_ =	swait.ge [sflag:s7], $0xFA0  }
0x26: {  	[sflag:s7] =	ssyncset.done $0x0  }
0x27: {  	[sflag:s7] =	ssyncadd.s32 $0xFFFFF060  }
0x28: {  	_ =	swait.ge [sflag:s9], $0xFA0  }
0x29: {  	[sflag:s9] =	ssyncset.done $0x0  }
0x2a: {  	[sflag:s9] =	ssyncadd.s32 $0xFFFFF060  }
0x2b: {  	_ =	swait.ge [sflag:s10], $0xFA0  }
0x2c: {  	[sflag:s10] =	ssyncset.done $0x0  }
0x2d: {  	[sflag:s10] =	ssyncadd.s32 $0xFFFFF060  }
0x2e: {  	[bflag:$0x0] =	sbarrier.arrive $0xFFFF  }
0x2f: {  	s8 =	rddreg [dreg:$0x7]  }
0x30: {  	s13 =	simm.s32 $0x11;
	s11 =	rddreg [dreg:$0x8];
	s8 =	sshrl.u32 s8, $0x3  }
0x31: {  	[hbm:s11], [sflag:s14] =	dma.local [spmem:s8], $0x9E0  }
0x32: {  	_ =	swait.ge [sflag:s13], $0x9E0  }
0x33: {  	s8 =	rddreg [dreg:$0xb]  }
0x34: {  	s14 =	rddreg [dreg:$0x9];
	s11 =	sadd.s32 $0x1, s8  }
0x35: {  	p0 =	sne.s32 s11, s14  }
.Ltmp1:
0x36: {  	_ = 	snop;
	(pc) =	sbr.rel @!p0 .LBB2_7-.Ltmp1, $3  }
0x37: {  	_ =	sdelay $0x1  }
0x38: {  	[sflag:s13] =	ssyncset.done $0x0  }
0x39: {  	[sflag:s13] =	ssyncadd.s32 $0xFFFFF620  }
.LBB2_1:
0x3a: {  	[dreg:$0xb] =	wrdreg s11  }
0x3b: {  	s8 =	simm.s32 $0x0;
	s14 =	rddreg [dreg:$0x4]  }
0x3c: {  	[tilespmem:s8], [sflag:$0x11] =	stream.linear.gather [hbm4b:s14+s8], $0x2800, $0x38;
	[tilespmem:$0x1BA00] =	vst v63  }
0x3d: {  	_ =	swait.ge [sflag:s13], $0x2800  }
0x3e: {  	s14 =	simm.s32 $0x2800;
	[sflag:s13] =	ssyncset.done $0x0  }
0x3f: {  	s8 =	simm.s32 $0x0;
	s11 =	rddreg [dreg:$0x5];
	[sflag:s13] =	ssyncadd.s32 $0xFFFFD800  }
0x40: {  	[tilespmem:s14], [sflag:$0x11] =	stream.linear.gather [hbm4b:s11+s8], $0x2800, $0x38;
	[tilespmem:$0x1BA00] =	vst v63  }
0x41: {  	s14 =	rddreg [dreg:$0xc];
	_ =	swait.ge [sflag:s13], $0x2800  }
0x42: {  	[sflag:s13] =	ssyncset.done $0x0;
	s8 =	rddreg [dreg:$0x6]  }
0x43: {  	s11 =	rddreg [dreg:$0xa];
	[sflag:s13] =	ssyncadd.s32 $0xFFFFD800  }
0x44: {  	[spmem:s11], [sflag:s14] =	dma.local [hbm:s8], $0x9E0  }
0x45: {  	_ =	swait.ge [sflag:s13], $0x9E0  }
0x46: {  	[sflag:s13] =	ssyncset.done $0x0  }
0x47: {  	s8 =	simm.s32 $0x80;
	[sflag:s13] =	ssyncadd.s32 $0xFFFFF620;
	s13 =	simm.s32 $0x0  }
.LBB2_2:
0x48: {  	p0 =	sne.s32 s8, $0x13B80;
	[tilespmem:s13+$0xCD00] =	vst v0;
	s11 =	smov.u32 s8;
	s8 =	sadd.s32 $0x80, s8  }
.Ltmp2:
0x49: {  	[tilespmem:s13+$0xCD10] =	vst v0;
	(pc) =	sbr.rel @p0 .LBB2_2-.Ltmp2, $2  }
0x4a: {  	_ =	sdelay $0x2  }
0x4b: {  	s13 =	sshra.s32 s11, $0x2  }
0x4c: {  	[tilespmem:s13+$0xCD00] =	vst v0  }
0x4d: {  	[tilespmem:s13+$0xCD10] =	vst v0;
	s8 =	rddreg [dreg:$0x7];
	s11 =	simm.s32 $0xCD00  }
0x4e: {  	[spmem:s8] =	stream.linear.scatter [tilespmem:s11], [sflag:$0x11], $0x4F00, $0x38;
	[tilespmem:$0x1BA00] =	vst v63  }
0x4f: {  	s11 =	simm.s32 $0x11  }
0x50: {  	_ =	swait.ge [sflag:s11], $0x4F00  }
0x51: {  	[sflag:s11] =	ssyncset.done $0x0  }
0x52: {  	[sflag:s11] =	ssyncadd.s32 $0xFFFFB100  }
0x53: {  	s8 =	simm.s32 $0x0;
	[bflag:$0x0] =	sbarrier.arrive $0xFFFF  }
0x54: {  	[tilespmem:s17], [sflag:$0x1] =	stream.indirect.gather [spmem:s2], $0x20, s8, s16, $0xb8;
	[tilespmem:$0x1BA00] =	vst v63  }
0x55: {  	s13 =	simm.s32 $0x80  }
0x56: {  	[tilespmem:s19], [sflag:$0x2] =	stream.indirect.gather [spmem:s2], $0x20, s13, s16, $0xb8;
	[tilespmem:$0x1BA00] =	vst v63  }
0x57: {  	s13 =	simm.s32 $0x100  }
0x58: {  	[tilespmem:s21], [sflag:$0x3] =	stream.indirect.gather [spmem:s2], $0x20, s13, s16, $0xb8;
	[tilespmem:$0x1BA00] =	vst v63  }
0x59: {  	s13 =	simm.s32 $0x180  }
0x5a: {  	[tilespmem:s23], [sflag:$0x4] =	stream.indirect.gather [spmem:s2], $0x20, s13, s16, $0xb8;
	[tilespmem:$0x1BA00] =	vst v63  }
0x5b: {  	s13 =	simm.s32 $0x200  }
0x5c: {  	[tilespmem:s25], [sflag:$0x5] =	stream.indirect.gather [spmem:s2], $0x20, s13, s16, $0xb8;
	[tilespmem:$0x1BA00] =	vst v63  }
0x5d: {  	s13 =	simm.s32 $0x280  }
0x5e: {  	[tilespmem:s28], [sflag:$0x6] =	stream.indirect.gather [spmem:s2], $0x20, s13, s16, $0xb8;
	[tilespmem:$0x1BA00] =	vst v63  }
0x5f: {  	s13 =	simm.s32 $0x300  }
0x60: {  	[tilespmem:s30], [sflag:$0x7] =	stream.indirect.gather [spmem:s2], $0x20, s13, s16, $0xb8;
	[tilespmem:$0x1BA00] =	vst v63  }
0x61: {  	s13 =	simm.s32 $0x380  }
0x62: {  	[tilespmem:s1], [sflag:$0x8] =	stream.indirect.gather [spmem:s2], $0x20, s13, s16, $0xb8;
	[tilespmem:$0x1BA00] =	vst v63  }
.LBB2_4:
0x63: {  	_ =	swait.ge [sflag:s0], $0xFA0  }
0x64: {  	s13 =	sshra.s32 s8, $0x2;
	[sflag:s0] =	ssyncset.done $0x0  }
0x65: {  	s11 =	sadd.s32 $0x2800, s13;
	[sflag:s0] =	ssyncadd.s32 $0xFFFFF060  }
0x66: {  	[spmem:s3] =	stream.indirect.scatter.add.f32 [tilespmem:s17], [sflag:$0x9], $0x20, s11, s16, $0xb8;
	[tilespmem:$0x1BA00] =	vst v63  }
0x67: {  	_ =	swait.ge [sflag:s12], $0xFA0  }
0x68: {  	[sflag:s12] =	ssyncset.done $0x0  }
0x69: {  	s11 =	sadd.s32 $0x2880, s13;
	[sflag:s12] =	ssyncadd.s32 $0xFFFFF060  }
0x6a: {  	[spmem:s3] =	stream.indirect.scatter.add.f32 [tilespmem:s19], [sflag:$0xA], $0x20, s11, s16, $0xb8;
	[tilespmem:$0x1BA00] =	vst v63  }
0x6b: {  	_ =	swait.ge [sflag:s15], $0xFA0  }
0x6c: {  	[sflag:s15] =	ssyncset.done $0x0  }
0x6d: {  	s11 =	sadd.s32 $0x2900, s13;
	[sflag:s15] =	ssyncadd.s32 $0xFFFFF060  }
0x6e: {  	[spmem:s3] =	stream.indirect.scatter.add.f32 [tilespmem:s21], [sflag:$0xB], $0x20, s11, s16, $0xb8;
	[tilespmem:$0x1BA00] =	vst v63  }
0x6f: {  	_ =	swait.ge [sflag:s18], $0xFA0  }
0x70: {  	[sflag:s18] =	ssyncset.done $0x0  }
0x71: {  	s11 =	sadd.s32 $0x2980, s13;
	[sflag:s18] =	ssyncadd.s32 $0xFFFFF060  }
0x72: {  	[spmem:s3] =	stream.indirect.scatter.add.f32 [tilespmem:s23], [sflag:$0xC], $0x20, s11, s16, $0xb8;
	[tilespmem:$0x1BA00] =	vst v63  }
0x73: {  	_ =	swait.ge [sflag:s20], $0xFA0  }
0x74: {  	[sflag:s20] =	ssyncset.done $0x0  }
0x75: {  	s11 =	sadd.s32 $0x2A00, s13;
	[sflag:s20] =	ssyncadd.s32 $0xFFFFF060  }
0x76: {  	[spmem:s3] =	stream.indirect.scatter.add.f32 [tilespmem:s25], [sflag:$0xD], $0x20, s11, s16, $0xb8;
	[tilespmem:$0x1BA00] =	vst v63  }
0x77: {  	_ =	swait.ge [sflag:s22], $0xFA0  }
0x78: {  	[sflag:s22] =	ssyncset.done $0x0  }
0x79: {  	s11 =	sadd.s32 $0x2A80, s13;
	[sflag:s22] =	ssyncadd.s32 $0xFFFFF060  }
0x7a: {  	[spmem:s3] =	stream.indirect.scatter.add.f32 [tilespmem:s28], [sflag:$0xE], $0x20, s11, s16, $0xb8;
	[tilespmem:$0x1BA00] =	vst v63  }
0x7b: {  	_ =	swait.ge [sflag:s24], $0xFA0  }
0x7c: {  	[sflag:s24] =	ssyncset.done $0x0  }
0x7d: {  	s11 =	sadd.s32 $0x2B00, s13;
	[sflag:s24] =	ssyncadd.s32 $0xFFFFF060  }
0x7e: {  	[spmem:s3] =	stream.indirect.scatter.add.f32 [tilespmem:s30], [sflag:$0xF], $0x20, s11, s16, $0xb8;
	[tilespmem:$0x1BA00] =	vst v63  }
0x7f: {  	_ =	swait.ge [sflag:s26], $0xFA0  }
0x80: {  	p0 =	seq.s32 s8, $0x9000;
	[sflag:s26] =	ssyncset.done $0x0  }
.Ltmp3:
0x81: {  	s11 =	sadd.s32 $0x2B80, s13;
	[sflag:s26] =	ssyncadd.s32 $0xFFFFF060;
	(pc) =	sbr.rel @p0 .LBB2_6-.Ltmp3, $4  }
0x82: {  	[spmem:s3] =	stream.indirect.scatter.add.f32 [tilespmem:s1], [sflag:$0x10], $0x20, s11, s16, $0xb8;
	[tilespmem:$0x1BA00] =	vst v63  }
0x83: {  	_ =	swait.ge [sflag:s29], $0xFA0  }
0x84: {  	[sflag:s29] =	ssyncset.done $0x0  }
0x85: {  	[sflag:s29] =	ssyncadd.s32 $0xFFFFF060  }
0x86: {  	s11 =	sadd.s32 $0x400, s13  }
0x87: {  	[tilespmem:s17], [sflag:$0x1] =	stream.indirect.gather [spmem:s2], $0x20, s11, s16, $0xb8;
	[tilespmem:$0x1BA00] =	vst v63  }
0x88: {  	_ =	swait.ge [sflag:s31], $0xFA0  }
0x89: {  	[sflag:s31] =	ssyncset.done $0x0  }
0x8a: {  	s11 =	sadd.s32 $0x480, s13;
	[sflag:s31] =	ssyncadd.s32 $0xFFFFF060  }
0x8b: {  	[tilespmem:s19], [sflag:$0x2] =	stream.indirect.gather [spmem:s2], $0x20, s11, s16, $0xb8;
	[tilespmem:$0x1BA00] =	vst v63  }
0x8c: {  	_ =	swait.ge [sflag:s4], $0xFA0  }
0x8d: {  	[sflag:s4] =	ssyncset.done $0x0  }
0x8e: {  	s11 =	sadd.s32 $0x500, s13;
	[sflag:s4] =	ssyncadd.s32 $0xFFFFF060  }
0x8f: {  	[tilespmem:s21], [sflag:$0x3] =	stream.indirect.gather [spmem:s2], $0x20, s11, s16, $0xb8;
	[tilespmem:$0x1BA00] =	vst v63  }
0x90: {  	_ =	swait.ge [sflag:s5], $0xFA0  }
0x91: {  	[sflag:s5] =	ssyncset.done $0x0  }
0x92: {  	s11 =	sadd.s32 $0x580, s13;
	[sflag:s5] =	ssyncadd.s32 $0xFFFFF060  }
0x93: {  	[tilespmem:s23], [sflag:$0x4] =	stream.indirect.gather [spmem:s2], $0x20, s11, s16, $0xb8;
	[tilespmem:$0x1BA00] =	vst v63  }
0x94: {  	_ =	swait.ge [sflag:s6], $0xFA0  }
0x95: {  	[sflag:s6] =	ssyncset.done $0x0  }
0x96: {  	s11 =	sadd.s32 $0x600, s13;
	[sflag:s6] =	ssyncadd.s32 $0xFFFFF060  }
0x97: {  	[tilespmem:s25], [sflag:$0x5] =	stream.indirect.gather [spmem:s2], $0x20, s11, s16, $0xb8;
	[tilespmem:$0x1BA00] =	vst v63  }
0x98: {  	_ =	swait.ge [sflag:s7], $0xFA0  }
0x99: {  	[sflag:s7] =	ssyncset.done $0x0  }
0x9a: {  	s11 =	sadd.s32 $0x680, s13;
	[sflag:s7] =	ssyncadd.s32 $0xFFFFF060  }
0x9b: {  	[tilespmem:s28], [sflag:$0x6] =	stream.indirect.gather [spmem:s2], $0x20, s11, s16, $0xb8;
	[tilespmem:$0x1BA00] =	vst v63  }
0x9c: {  	_ =	swait.ge [sflag:s9], $0xFA0  }
0x9d: {  	[sflag:s9] =	ssyncset.done $0x0  }
0x9e: {  	s11 =	sadd.s32 $0x700, s13;
	[sflag:s9] =	ssyncadd.s32 $0xFFFFF060  }
0x9f: {  	[tilespmem:s30], [sflag:$0x7] =	stream.indirect.gather [spmem:s2], $0x20, s11, s16, $0xb8;
	[tilespmem:$0x1BA00] =	vst v63  }
.Ltmp4:
0xa0: {  	_ = 	snop;
	(pc) =	sbr.rel .LBB2_4-.Ltmp4, $4  }
0xa1: {  	_ =	swait.ge [sflag:s10], $0xFA0  }
0xa2: {  	[sflag:s10] =	ssyncset.done $0x0  }
0xa3: {  	s8 =	sadd.s32 $0x1000, s8;
	s13 =	sadd.s32 $0x780, s13;
	[sflag:s10] =	ssyncadd.s32 $0xFFFFF060  }
0xa4: {  	[tilespmem:s1], [sflag:$0x8] =	stream.indirect.gather [spmem:s2], $0x20, s13, s16, $0xb8;
	[tilespmem:$0x1BA00] =	vst v63  }
.LBB2_7:
0xa5: {  	_ =	sfence.sel $0x180000  }
0xa6: {  	[bflag:$0x0] =	sbarrier.arrive $0xFFFF  }
0xa7: {  	_ =	strace $0x9000004A  }
0xa8: {  	s0 =	stileid.u32;
	[bflag:$0x2] =	sbarrier.arrive $0xFFFF  }
0xa9: {  	p0 =	sne.s32 s0, $0x0;
	s0 =	rddreg [dreg:$0x3]  }
0xaa: {  	s0 =	sadd.s32 @!p0 $0x100000, s0  }
0xab: {  	[sflag:s0] =	ssyncadd.tile.s32 @!p0 $0x1;
	_ =	shalt  }
.Lfunc_end2:
_tile_overlayer_lowered:
.L_overlay_start_2:
0xac: {  	(tag) =	ssettag $0x2  }
0xad: {  	s0 =	rddreg [dreg:$0x0];
	s2 =	stileid.u32  }
0xae: {  	s1 =	rddreg [dreg:$0x1];
	p0 =	sne.s32 s2, $0x0  }
0xaf: {  	s3 =	rddreg [dreg:$0x2];
	[bflag:$0x3] =	sbarrier.arrive $0xFFFF;
	s2 =	simm.s32 @!p0 $0x1C11  }
0xb0: {  	[timem:s3], [sflag:s2] =	dma.local @!p0 [hbm:s0], s1  }
0xb1: {  	s0 =	simm.s32 @!p0 $0x11  }
0xb2: {  	_ =	swait.ge @!p0 [sflag:s0], s1  }
0xb3: {  	s1 =	ssub.s32 @!p0 $0x0, s1;
	[sflag:s0] =	ssyncset.done @!p0 $0x0  }
0xb4: {  	[sflag:s0] =	ssyncadd.s32 @!p0 s1  }
0xb5: {  	[bflag:$0x3] =	sbarrier.arrive $0xFFFF  }
0xb6: {  	_ =	shalt  }

</sc_bundles>
